<compile_context>
chip_gen: v7x
topology: tpu7x:2x2x1
jax: 0.10.2.dev20260603
libtpu: 0.0.44.dev20260713+nightly
codegen_flags: <defaults>
</compile_context>

<pallas_src>
import functools

import jax
import jax.numpy as jnp
from jax import lax
from jax.experimental import pallas as pl
from jax.experimental.pallas import tpu as pltpu
from jax.experimental.pallas import tpu_sc as plsc

_VOCAB = 22
_HIDDEN = 2048
_EPS = 1e-12

_B = 4 * 2048
_NC, _NS = 2, 16
_NW = _NC * _NS
_BPW = _B // _NW
_LANES = 16


def _norm_body(tab_ref, gamma_ref, beta_ref, out_ref):
    t = tab_ref[...]
    mean = jnp.mean(t, axis=1, keepdims=True)
    c = t - mean
    var = jnp.mean(c * c, axis=1, keepdims=True)
    out_ref[...] = c * lax.rsqrt(var + _EPS) * gamma_ref[...] + beta_ref[...]


def _normalize_table(table, gamma, beta):
    return pl.pallas_call(
        _norm_body,
        out_shape=jax.ShapeDtypeStruct((_VOCAB, _HIDDEN), jnp.float32),
    )(table, gamma.reshape(1, _HIDDEN), beta.reshape(1, _HIDDEN))


_sc_mesh = plsc.VectorSubcoreMesh(core_axis_name="c", subcore_axis_name="s")


@functools.partial(
    pl.kernel,
    mesh=_sc_mesh,
    out_type=jax.ShapeDtypeStruct((_B, _HIDDEN), jnp.float32),
    scratch_types=(
        [pltpu.VMEM((_BPW,), jnp.int32),
         pltpu.VMEM((_VOCAB, _HIDDEN), jnp.float32)]
        + [pltpu.SemaphoreType.DMA, pltpu.SemaphoreType.DMA]
    ),
)
def _sc_scatter_rows(idx_hbm, tab_hbm, out_hbm, idx_v, tab_v, sem, ssem):
    wid = lax.axis_index("s") * _NC + lax.axis_index("c")
    base = wid * _BPW
    stage_idx = pltpu.async_copy(idx_hbm.at[pl.ds(base, _BPW)], idx_v, ssem)
    stage_tab = pltpu.async_copy(tab_hbm, tab_v, ssem)
    stage_idx.wait()
    stage_tab.wait()

    def group(g, carry):
        iv = idx_v[pl.ds(g * _LANES, _LANES)]
        descs = []
        for b in range(_LANES):
            descs.append(pltpu.async_copy(
                tab_v.at[pl.ds(iv[b], 1)],
                out_hbm.at[pl.ds(base + g * _LANES + b, 1)],
                sem))
        for d in descs:
            d.wait()
        return carry

    lax.fori_loop(0, _BPW // _LANES, group, 0)


def kernel(seq, table, gamma, beta):
    norm_tab = _normalize_table(table, gamma, beta)
    idx = seq.reshape(-1).astype(jnp.int32)
    out = _sc_scatter_rows(idx, norm_tab)
    return out.reshape(seq.shape[0], seq.shape[1], _HIDDEN)

# --- scband reference (transcript-rebuilt; emitter-appended) ---
"""Pipeline reference for scband-anti-embeddings-1958505087597 (READ-ONLY COPY).

The authoritative reference and input builder live on the scoring server;
editing this copy changes nothing except your own understanding.
"""

import jax, jax.numpy as jnp
import numpy as np

VOCAB = 22
HIDDEN = 2048
EPS = 1e-12


def setup_inputs(seed: int = 0) -> dict:
    key = jax.random.key(seed)
    k_seq, k_tab, k_g, k_b = jax.random.split(key, 4)
    seq = jax.random.randint(k_seq, (4, 2048), 0, VOCAB, dtype=jnp.int64)
    table = jax.random.normal(k_tab, (VOCAB, HIDDEN), dtype=jnp.float32) * 0.02
    gamma = jnp.ones((HIDDEN,), dtype=jnp.float32)
    beta = jnp.zeros((HIDDEN,), dtype=jnp.float32)
    return {"seq": seq, "table": table, "gamma": gamma, "beta": beta}


def reference(seq, table, gamma, beta):
    # embedding lookup: gather rows from the residue table
    emb = jnp.take(table, seq, axis=0)  # [B, L, H]
    # LayerNorm over the last dim (biased variance, matching torch nn.LayerNorm)
    mean = jnp.mean(emb, axis=-1, keepdims=True)
    var = jnp.var(emb, axis=-1, keepdims=True)
    norm = (emb - mean) / jnp.sqrt(var + EPS)
    out = norm * gamma + beta
    # dropout is identity at inference time
    return out

if __name__ == "__main__":
    import jax
    _d = setup_inputs()
    print(jax.jit(kernel)(*tuple(_d.values())))

</pallas_src>

<mosaic_0001>
#map = affine_map<(d0, d1) -> (0)>
#map1 = affine_map<(d0, d1) -> (0, 0)>
module attributes {stable_mosaic.version = 14 : i64} {
  func.func @_sc_scatter_rows(%arg0: i32, %arg1: i32, %arg2: memref<8192xi32, #tpu.memory_space<hbm>>, %arg3: memref<22x2048xf32, #tpu.memory_space<hbm>>, %arg4: memref<8192x2048xf32, #tpu.memory_space<hbm>>, %arg5: memref<256xi32, #tpu.memory_space<vmem>>, %arg6: memref<22x2048xf32, #tpu.memory_space<vmem>>, %arg7: memref<!tpu.dma_semaphore, #tpu.memory_space<semaphore_mem>>, %arg8: memref<!tpu.dma_semaphore, #tpu.memory_space<semaphore_mem>>) attributes {dimension_semantics = [#tpu.dimension_semantics<core_parallel>, #tpu.dimension_semantics<subcore_parallel>], iteration_bounds = array<i64: 2, 16>, scalar_prefetch = 0 : i64, scratch_operands = 4 : i64, tpu.core_type = #tpu.core_type<sc_vector_subcore>, window_params = [{transform_indices = #map}, {transform_indices = #map1}, {transform_indices = #map1}]} {
    %mul3A = arith.constant 2 : i32
    %mul3A_0 = arith.muli %arg1, %mul3A : i32
    %add3A = arith.addi %mul3A_0, %arg0 : i32
    %mul3A_1 = arith.constant 256 : i32
    %mul3A_2 = arith.muli %add3A, %mul3A_1 : i32
    %dma_start3A = tpu.memref_slice %arg2[%mul3A_2] : memref<8192xi32, #tpu.memory_space<hbm>> -> memref<256xi32, #tpu.memory_space<hbm>>
    %dma_start3A_3 = tpu.memref_slice %arg2[%mul3A_2] : memref<8192xi32, #tpu.memory_space<hbm>> -> memref<256xi32, #tpu.memory_space<hbm>>
    tpu.enqueue_dma source(%dma_start3A_3 : memref<256xi32, #tpu.memory_space<hbm>>) target(%arg5 : memref<256xi32, #tpu.memory_space<vmem>>) target_semaphore(%arg8 : memref<!tpu.dma_semaphore, #tpu.memory_space<semaphore_mem>>)
    tpu.enqueue_dma source(%arg3 : memref<22x2048xf32, #tpu.memory_space<hbm>>) target(%arg6 : memref<22x2048xf32, #tpu.memory_space<vmem>>) target_semaphore(%arg8 : memref<!tpu.dma_semaphore, #tpu.memory_space<semaphore_mem>>)
    %dma_wait3A = tpu.memref_slice %arg2[%mul3A_2] : memref<8192xi32, #tpu.memory_space<hbm>> -> memref<256xi32, #tpu.memory_space<hbm>>
    %dma_wait3A_4 = tpu.memref_slice %arg2[%mul3A_2] : memref<8192xi32, #tpu.memory_space<hbm>> -> memref<256xi32, #tpu.memory_space<hbm>>
    tpu.wait_dma2 semaphore(%arg8 : memref<!tpu.dma_semaphore, #tpu.memory_space<semaphore_mem>>) src(%dma_wait3A_4 : memref<256xi32, #tpu.memory_space<hbm>>) dst(%arg5 : memref<256xi32, #tpu.memory_space<vmem>>)
    tpu.wait_dma2 semaphore(%arg8 : memref<!tpu.dma_semaphore, #tpu.memory_space<semaphore_mem>>) src(%arg3 : memref<22x2048xf32, #tpu.memory_space<hbm>>) dst(%arg6 : memref<22x2048xf32, #tpu.memory_space<vmem>>)
    %scan3A = arith.constant 0 : i32
    %scan3A_5 = arith.constant 0 : i32
    %scan3A_6 = arith.constant 16 : i32
    %scan3A_7 = arith.addi %scan3A_5, %scan3A_6 : i32
    %scan3A_8 = arith.constant 1 : i32
    scf.for %scan3A_10 = %scan3A_5 to %scan3A_7 step %scan3A_8  : i32 {
      %mul3A_11 = arith.constant 16 : i32
      %mul3A_12 = arith.muli %scan3A_10, %mul3A_11 : i32
      %get3A = arith.index_cast %mul3A_12 : i32 to index
      %get3A_13 = tpu.vector_load %arg5[%get3A] {strides = array<i32>} : memref<256xi32, #tpu.memory_space<vmem>>, vector<16xi32>,
      %get3A_14 = vector.shape_cast %get3A_13 : vector<16xi32> to vector<16xi32>
      %slice3A = vector.extract_strided_slice %get3A_14 {offsets = [0], sizes = [1], strides = [1]} : vector<16xi32> to vector<1xi32>
      %squeeze3A = vector.extract %slice3A[0] : i32 from vector<1xi32>
      %mul3A_15 = arith.constant 16 : i32
      %mul3A_16 = arith.muli %scan3A_10, %mul3A_15 : i32
      %add3A_17 = arith.addi %mul3A_2, %mul3A_16 : i32
      %add3A_18 = arith.constant 0 : i32
      %add3A_19 = arith.addi %add3A_17, %add3A_18 : i32
      %dma_start3A_20 = arith.constant 0 : i32
      %dma_start3A_21 = tpu.memref_slice %arg6[%squeeze3A, %dma_start3A_20] : memref<22x2048xf32, #tpu.memory_space<vmem>> -> memref<1x2048xf32, #tpu.memory_space<vmem>>
      %dma_start3A_22 = arith.constant 0 : i32
      %dma_start3A_23 = tpu.memref_slice %arg4[%add3A_19, %dma_start3A_22] : memref<8192x2048xf32, #tpu.memory_space<hbm>> -> memref<1x2048xf32, #tpu.memory_space<hbm>>
      %dma_start3A_24 = arith.constant 0 : i32
      %dma_start3A_25 = tpu.memref_slice %arg4[%add3A_19, %dma_start3A_24] : memref<8192x2048xf32, #tpu.memory_space<hbm>> -> memref<1x2048xf32, #tpu.memory_space<hbm>>
      %dma_start3A_26 = arith.constant 0 : i32
      %dma_start3A_27 = tpu.memref_slice %arg6[%squeeze3A, %dma_start3A_26] : memref<22x2048xf32, #tpu.memory_space<vmem>> -> memref<1x2048xf32, #tpu.memory_space<vmem>>
      tpu.enqueue_dma source(%dma_start3A_27 : memref<1x2048xf32, #tpu.memory_space<vmem>>) target(%dma_start3A_25 : memref<1x2048xf32, #tpu.memory_space<hbm>>) target_semaphore(%arg7 : memref<!tpu.dma_semaphore, #tpu.memory_space<semaphore_mem>>)
      %slice3A_28 = vector.extract_strided_slice %get3A_14 {offsets = [1], sizes = [1], strides = [1]} : vector<16xi32> to vector<1xi32>
      %squeeze3A_29 = vector.extract %slice3A_28[0] : i32 from vector<1xi32>
      %mul3A_30 = arith.constant 16 : i32
      %mul3A_31 = arith.muli %scan3A_10, %mul3A_30 : i32
      %add3A_32 = arith.addi %mul3A_2, %mul3A_31 : i32
      %add3A_33 = arith.constant 1 : i32
      %add3A_34 = arith.addi %add3A_32, %add3A_33 : i32
      %dma_start3A_35 = arith.constant 0 : i32
      %dma_start3A_36 = tpu.memref_slice %arg6[%squeeze3A_29, %dma_start3A_35] : memref<22x2048xf32, #tpu.memory_space<vmem>> -> memref<1x2048xf32, #tpu.memory_space<vmem>>
      %dma_start3A_37 = arith.constant 0 : i32
      %dma_start3A_38 = tpu.memref_slice %arg4[%add3A_34, %dma_start3A_37] : memref<8192x2048xf32, #tpu.memory_space<hbm>> -> memref<1x2048xf32, #tpu.memory_space<hbm>>
      %dma_start3A_39 = arith.constant 0 : i32
      %dma_start3A_40 = tpu.memref_slice %arg4[%add3A_34, %dma_start3A_39] : memref<8192x2048xf32, #tpu.memory_space<hbm>> -> memref<1x2048xf32, #tpu.memory_space<hbm>>
      %dma_start3A_41 = arith.constant 0 : i32
      %dma_start3A_42 = tpu.memref_slice %arg6[%squeeze3A_29, %dma_start3A_41] : memref<22x2048xf32, #tpu.memory_space<vmem>> -> memref<1x2048xf32, #tpu.memory_space<vmem>>
      tpu.enqueue_dma source(%dma_start3A_42 : memref<1x2048xf32, #tpu.memory_space<vmem>>) target(%dma_start3A_40 : memref<1x2048xf32, #tpu.memory_space<hbm>>) target_semaphore(%arg7 : memref<!tpu.dma_semaphore, #tpu.memory_space<semaphore_mem>>)
      %slice3A_43 = vector.extract_strided_slice %get3A_14 {offsets = [2], sizes = [1], strides = [1]} : vector<16xi32> to vector<1xi32>
      %squeeze3A_44 = vector.extract %slice3A_43[0] : i32 from vector<1xi32>
      %mul3A_45 = arith.constant 16 : i32
      %mul3A_46 = arith.muli %scan3A_10, %mul3A_45 : i32
      %add3A_47 = arith.addi %mul3A_2, %mul3A_46 : i32
      %add3A_48 = arith.constant 2 : i32
      %add3A_49 = arith.addi %add3A_47, %add3A_48 : i32
      %dma_start3A_50 = arith.constant 0 : i32
      %dma_start3A_51 = tpu.memref_slice %arg6[%squeeze3A_44, %dma_start3A_50] : memref<22x2048xf32, #tpu.memory_space<vmem>> -> memref<1x2048xf32, #tpu.memory_space<vmem>>
      %dma_start3A_52 = arith.constant 0 : i32
      %dma_start3A_53 = tpu.memref_slice %arg4[%add3A_49, %dma_start3A_52] : memref<8192x2048xf32, #tpu.memory_space<hbm>> -> memref<1x2048xf32, #tpu.memory_space<hbm>>
      %dma_start3A_54 = arith.constant 0 : i32
      %dma_start3A_55 = tpu.memref_slice %arg4[%add3A_49, %dma_start3A_54] : memref<8192x2048xf32, #tpu.memory_space<hbm>> -> memref<1x2048xf32, #tpu.memory_space<hbm>>
      %dma_start3A_56 = arith.constant 0 : i32
      %dma_start3A_57 = tpu.memref_slice %arg6[%squeeze3A_44, %dma_start3A_56] : memref<22x2048xf32, #tpu.memory_space<vmem>> -> memref<1x2048xf32, #tpu.memory_space<vmem>>
      tpu.enqueue_dma source(%dma_start3A_57 : memref<1x2048xf32, #tpu.memory_space<vmem>>) target(%dma_start3A_55 : memref<1x2048xf32, #tpu.memory_space<hbm>>) target_semaphore(%arg7 : memref<!tpu.dma_semaphore, #tpu.memory_space<semaphore_mem>>)
      %slice3A_58 = vector.extract_strided_slice %get3A_14 {offsets = [3], sizes = [1], strides = [1]} : vector<16xi32> to vector<1xi32>
      %squeeze3A_59 = vector.extract %slice3A_58[0] : i32 from vector<1xi32>
      %mul3A_60 = arith.constant 16 : i32
      %mul3A_61 = arith.muli %scan3A_10, %mul3A_60 : i32
      %add3A_62 = arith.addi %mul3A_2, %mul3A_61 : i32
      %add3A_63 = arith.constant 3 : i32
      %add3A_64 = arith.addi %add3A_62, %add3A_63 : i32
      %dma_start3A_65 = arith.constant 0 : i32
      %dma_start3A_66 = tpu.memref_slice %arg6[%squeeze3A_59, %dma_start3A_65] : memref<22x2048xf32, #tpu.memory_space<vmem>> -> memref<1x2048xf32, #tpu.memory_space<vmem>>
      %dma_start3A_67 = arith.constant 0 : i32
      %dma_start3A_68 = tpu.memref_slice %arg4[%add3A_64, %dma_start3A_67] : memref<8192x2048xf32, #tpu.memory_space<hbm>> -> memref<1x2048xf32, #tpu.memory_space<hbm>>
      %dma_start3A_69 = arith.constant 0 : i32
      %dma_start3A_70 = tpu.memref_slice %arg4[%add3A_64, %dma_start3A_69] : memref<8192x2048xf32, #tpu.memory_space<hbm>> -> memref<1x2048xf32, #tpu.memory_space<hbm>>
      %dma_start3A_71 = arith.constant 0 : i32
      %dma_start3A_72 = tpu.memref_slice %arg6[%squeeze3A_59, %dma_start3A_71] : memref<22x2048xf32, #tpu.memory_space<vmem>> -> memref<1x2048xf32, #tpu.memory_space<vmem>>
      tpu.enqueue_dma source(%dma_start3A_72 : memref<1x2048xf32, #tpu.memory_space<vmem>>) target(%dma_start3A_70 : memref<1x2048xf32, #tpu.memory_space<hbm>>) target_semaphore(%arg7 : memref<!tpu.dma_semaphore, #tpu.memory_space<semaphore_mem>>)
      %slice3A_73 = vector.extract_strided_slice %get3A_14 {offsets = [4], sizes = [1], strides = [1]} : vector<16xi32> to vector<1xi32>
      %squeeze3A_74 = vector.extract %slice3A_73[0] : i32 from vector<1xi32>
      %mul3A_75 = arith.constant 16 : i32
      %mul3A_76 = arith.muli %scan3A_10, %mul3A_75 : i32
      %add3A_77 = arith.addi %mul3A_2, %mul3A_76 : i32
      %add3A_78 = arith.constant 4 : i32
      %add3A_79 = arith.addi %add3A_77, %add3A_78 : i32
      %dma_start3A_80 = arith.constant 0 : i32
      %dma_start3A_81 = tpu.memref_slice %arg6[%squeeze3A_74, %dma_start3A_80] : memref<22x2048xf32, #tpu.memory_space<vmem>> -> memref<1x2048xf32, #tpu.memory_space<vmem>>
      %dma_start3A_82 = arith.constant 0 : i32
      %dma_start3A_83 = tpu.memref_slice %arg4[%add3A_79, %dma_start3A_82] : memref<8192x2048xf32, #tpu.memory_space<hbm>> -> memref<1x2048xf32, #tpu.memory_space<hbm>>
      %dma_start3A_84 = arith.constant 0 : i32
      %dma_start3A_85 = tpu.memref_slice %arg4[%add3A_79, %dma_start3A_84] : memref<8192x2048xf32, #tpu.memory_space<hbm>> -> memref<1x2048xf32, #tpu.memory_space<hbm>>
      %dma_start3A_86 = arith.constant 0 : i32
      %dma_start3A_87 = tpu.memref_slice %arg6[%squeeze3A_74, %dma_start3A_86] : memref<22x2048xf32, #tpu.memory_space<vmem>> -> memref<1x2048xf32, #tpu.memory_space<vmem>>
      tpu.enqueue_dma source(%dma_start3A_87 : memref<1x2048xf32, #tpu.memory_space<vmem>>) target(%dma_start3A_85 : memref<1x2048xf32, #tpu.memory_space<hbm>>) target_semaphore(%arg7 : memref<!tpu.dma_semaphore, #tpu.memory_space<semaphore_mem>>)
      %slice3A_88 = vector.extract_strided_slice %get3A_14 {offsets = [5], sizes = [1], strides = [1]} : vector<16xi32> to vector<1xi32>
      %squeeze3A_89 = vector.extract %slice3A_88[0] : i32 from vector<1xi32>
      %mul3A_90 = arith.constant 16 : i32
      %mul3A_91 = arith.muli %scan3A_10, %mul3A_90 : i32
      %add3A_92 = arith.addi %mul3A_2, %mul3A_91 : i32
      %add3A_93 = arith.constant 5 : i32
      %add3A_94 = arith.addi %add3A_92, %add3A_93 : i32
      %dma_start3A_95 = arith.constant 0 : i32
      %dma_start3A_96 = tpu.memref_slice %arg6[%squeeze3A_89, %dma_start3A_95] : memref<22x2048xf32, #tpu.memory_space<vmem>> -> memref<1x2048xf32, #tpu.memory_space<vmem>>
      %dma_start3A_97 = arith.constant 0 : i32
      %dma_start3A_98 = tpu.memref_slice %arg4[%add3A_94, %dma_start3A_97] : memref<8192x2048xf32, #tpu.memory_space<hbm>> -> memref<1x2048xf32, #tpu.memory_space<hbm>>
      %dma_start3A_99 = arith.constant 0 : i32
      %dma_start3A_100 = tpu.memref_slice %arg4[%add3A_94, %dma_start3A_99] : memref<8192x2048xf32, #tpu.memory_space<hbm>> -> memref<1x2048xf32, #tpu.memory_space<hbm>>
      %dma_start3A_101 = arith.constant 0 : i32
      %dma_start3A_102 = tpu.memref_slice %arg6[%squeeze3A_89, %dma_start3A_101] : memref<22x2048xf32, #tpu.memory_space<vmem>> -> memref<1x2048xf32, #tpu.memory_space<vmem>>
      tpu.enqueue_dma source(%dma_start3A_102 : memref<1x2048xf32, #tpu.memory_space<vmem>>) target(%dma_start3A_100 : memref<1x2048xf32, #tpu.memory_space<hbm>>) target_semaphore(%arg7 : memref<!tpu.dma_semaphore, #tpu.memory_space<semaphore_mem>>)
      %slice3A_103 = vector.extract_strided_slice %get3A_14 {offsets = [6], sizes = [1], strides = [1]} : vector<16xi32> to vector<1xi32>
      %squeeze3A_104 = vector.extract %slice3A_103[0] : i32 from vector<1xi32>
      %mul3A_105 = arith.constant 16 : i32
      %mul3A_106 = arith.muli %scan3A_10, %mul3A_105 : i32
      %add3A_107 = arith.addi %mul3A_2, %mul3A_106 : i32
      %add3A_108 = arith.constant 6 : i32
      %add3A_109 = arith.addi %add3A_107, %add3A_108 : i32
      %dma_start3A_110 = arith.constant 0 : i32
      %dma_start3A_111 = tpu.memref_slice %arg6[%squeeze3A_104, %dma_start3A_110] : memref<22x2048xf32, #tpu.memory_space<vmem>> -> memref<1x2048xf32, #tpu.memory_space<vmem>>
      %dma_start3A_112 = arith.constant 0 : i32
      %dma_start3A_113 = tpu.memref_slice %arg4[%add3A_109, %dma_start3A_112] : memref<8192x2048xf32, #tpu.memory_space<hbm>> -> memref<1x2048xf32, #tpu.memory_space<hbm>>
      %dma_start3A_114 = arith.constant 0 : i32
      %dma_start3A_115 = tpu.memref_slice %arg4[%add3A_109, %dma_start3A_114] : memref<8192x2048xf32, #tpu.memory_space<hbm>> -> memref<1x2048xf32, #tpu.memory_space<hbm>>
      %dma_start3A_116 = arith.constant 0 : i32
      %dma_start3A_117 = tpu.memref_slice %arg6[%squeeze3A_104, %dma_start3A_116] : memref<22x2048xf32, #tpu.memory_space<vmem>> -> memref<1x2048xf32, #tpu.memory_space<vmem>>
      tpu.enqueue_dma source(%dma_start3A_117 : memref<1x2048xf32, #tpu.memory_space<vmem>>) target(%dma_start3A_115 : memref<1x2048xf32, #tpu.memory_space<hbm>>) target_semaphore(%arg7 : memref<!tpu.dma_semaphore, #tpu.memory_space<semaphore_mem>>)
      %slice3A_118 = vector.extract_strided_slice %get3A_14 {offsets = [7], sizes = [1], strides = [1]} : vector<16xi32> to vector<1xi32>
      %squeeze3A_119 = vector.extract %slice3A_118[0] : i32 from vector<1xi32>
      %mul3A_120 = arith.constant 16 : i32
      %mul3A_121 = arith.muli %scan3A_10, %mul3A_120 : i32
      %add3A_122 = arith.addi %mul3A_2, %mul3A_121 : i32
      %add3A_123 = arith.constant 7 : i32
      %add3A_124 = arith.addi %add3A_122, %add3A_123 : i32
      %dma_start3A_125 = arith.constant 0 : i32
      %dma_start3A_126 = tpu.memref_slice %arg6[%squeeze3A_119, %dma_start3A_125] : memref<22x2048xf32, #tpu.memory_space<vmem>> -> memref<1x2048xf32, #tpu.memory_space<vmem>>
      %dma_start3A_127 = arith.constant 0 : i32
      %dma_start3A_128 = tpu.memref_slice %arg4[%add3A_124, %dma_start3A_127] : memref<8192x2048xf32, #tpu.memory_space<hbm>> -> memref<1x2048xf32, #tpu.memory_space<hbm>>
      %dma_start3A_129 = arith.constant 0 : i32
      %dma_start3A_130 = tpu.memref_slice %arg4[%add3A_124, %dma_start3A_129] : memref<8192x2048xf32, #tpu.memory_space<hbm>> -> memref<1x2048xf32, #tpu.memory_space<hbm>>
      %dma_start3A_131 = arith.constant 0 : i32
      %dma_start3A_132 = tpu.memref_slice %arg6[%squeeze3A_119, %dma_start3A_131] : memref<22x2048xf32, #tpu.memory_space<vmem>> -> memref<1x2048xf32, #tpu.memory_space<vmem>>
      tpu.enqueue_dma source(%dma_start3A_132 : memref<1x2048xf32, #tpu.memory_space<vmem>>) target(%dma_start3A_130 : memref<1x2048xf32, #tpu.memory_space<hbm>>) target_semaphore(%arg7 : memref<!tpu.dma_semaphore, #tpu.memory_space<semaphore_mem>>)
      %slice3A_133 = vector.extract_strided_slice %get3A_14 {offsets = [8], sizes = [1], strides = [1]} : vector<16xi32> to vector<1xi32>
      %squeeze3A_134 = vector.extract %slice3A_133[0] : i32 from vector<1xi32>
      %mul3A_135 = arith.constant 16 : i32
      %mul3A_136 = arith.muli %scan3A_10, %mul3A_135 : i32
      %add3A_137 = arith.addi %mul3A_2, %mul3A_136 : i32
      %add3A_138 = arith.constant 8 : i32
      %add3A_139 = arith.addi %add3A_137, %add3A_138 : i32
      %dma_start3A_140 = arith.constant 0 : i32
      %dma_start3A_141 = tpu.memref_slice %arg6[%squeeze3A_134, %dma_start3A_140] : memref<22x2048xf32, #tpu.memory_space<vmem>> -> memref<1x2048xf32, #tpu.memory_space<vmem>>
      %dma_start3A_142 = arith.constant 0 : i32
      %dma_start3A_143 = tpu.memref_slice %arg4[%add3A_139, %dma_start3A_142] : memref<8192x2048xf32, #tpu.memory_space<hbm>> -> memref<1x2048xf32, #tpu.memory_space<hbm>>
      %dma_start3A_144 = arith.constant 0 : i32
      %dma_start3A_145 = tpu.memref_slice %arg4[%add3A_139, %dma_start3A_144] : memref<8192x2048xf32, #tpu.memory_space<hbm>> -> memref<1x2048xf32, #tpu.memory_space<hbm>>
      %dma_start3A_146 = arith.constant 0 : i32
      %dma_start3A_147 = tpu.memref_slice %arg6[%squeeze3A_134, %dma_start3A_146] : memref<22x2048xf32, #tpu.memory_space<vmem>> -> memref<1x2048xf32, #tpu.memory_space<vmem>>
      tpu.enqueue_dma source(%dma_start3A_147 : memref<1x2048xf32, #tpu.memory_space<vmem>>) target(%dma_start3A_145 : memref<1x2048xf32, #tpu.memory_space<hbm>>) target_semaphore(%arg7 : memref<!tpu.dma_semaphore, #tpu.memory_space<semaphore_mem>>)
      %slice3A_148 = vector.extract_strided_slice %get3A_14 {offsets = [9], sizes = [1], strides = [1]} : vector<16xi32> to vector<1xi32>
      %squeeze3A_149 = vector.extract %slice3A_148[0] : i32 from vector<1xi32>
      %mul3A_150 = arith.constant 16 : i32
      %mul3A_151 = arith.muli %scan3A_10, %mul3A_150 : i32
      %add3A_152 = arith.addi %mul3A_2, %mul3A_151 : i32
      %add3A_153 = arith.constant 9 : i32
      %add3A_154 = arith.addi %add3A_152, %add3A_153 : i32
      %dma_start3A_155 = arith.constant 0 : i32
      %dma_start3A_156 = tpu.memref_slice %arg6[%squeeze3A_149, %dma_start3A_155] : memref<22x2048xf32, #tpu.memory_space<vmem>> -> memref<1x2048xf32, #tpu.memory_space<vmem>>
      %dma_start3A_157 = arith.constant 0 : i32
      %dma_start3A_158 = tpu.memref_slice %arg4[%add3A_154, %dma_start3A_157] : memref<8192x2048xf32, #tpu.memory_space<hbm>> -> memref<1x2048xf32, #tpu.memory_space<hbm>>
      %dma_start3A_159 = arith.constant 0 : i32
      %dma_start3A_160 = tpu.memref_slice %arg4[%add3A_154, %dma_start3A_159] : memref<8192x2048xf32, #tpu.memory_space<hbm>> -> memref<1x2048xf32, #tpu.memory_space<hbm>>
      %dma_start3A_161 = arith.constant 0 : i32
      %dma_start3A_162 = tpu.memref_slice %arg6[%squeeze3A_149, %dma_start3A_161] : memref<22x2048xf32, #tpu.memory_space<vmem>> -> memref<1x2048xf32, #tpu.memory_space<vmem>>
      tpu.enqueue_dma source(%dma_start3A_162 : memref<1x2048xf32, #tpu.memory_space<vmem>>) target(%dma_start3A_160 : memref<1x2048xf32, #tpu.memory_space<hbm>>) target_semaphore(%arg7 : memref<!tpu.dma_semaphore, #tpu.memory_space<semaphore_mem>>)
      %slice3A_163 = vector.extract_strided_slice %get3A_14 {offsets = [10], sizes = [1], strides = [1]} : vector<16xi32> to vector<1xi32>
      %squeeze3A_164 = vector.extract %slice3A_163[0] : i32 from vector<1xi32>
      %mul3A_165 = arith.constant 16 : i32
      %mul3A_166 = arith.muli %scan3A_10, %mul3A_165 : i32
      %add3A_167 = arith.addi %mul3A_2, %mul3A_166 : i32
      %add3A_168 = arith.constant 10 : i32
      %add3A_169 = arith.addi %add3A_167, %add3A_168 : i32
      %dma_start3A_170 = arith.constant 0 : i32
      %dma_start3A_171 = tpu.memref_slice %arg6[%squeeze3A_164, %dma_start3A_170] : memref<22x2048xf32, #tpu.memory_space<vmem>> -> memref<1x2048xf32, #tpu.memory_space<vmem>>
      %dma_start3A_172 = arith.constant 0 : i32
      %dma_start3A_173 = tpu.memref_slice %arg4[%add3A_169, %dma_start3A_172] : memref<8192x2048xf32, #tpu.memory_space<hbm>> -> memref<1x2048xf32, #tpu.memory_space<hbm>>
      %dma_start3A_174 = arith.constant 0 : i32
      %dma_start3A_175 = tpu.memref_slice %arg4[%add3A_169, %dma_start3A_174] : memref<8192x2048xf32, #tpu.memory_space<hbm>> -> memref<1x2048xf32, #tpu.memory_space<hbm>>
      %dma_start3A_176 = arith.constant 0 : i32
      %dma_start3A_177 = tpu.memref_slice %arg6[%squeeze3A_164, %dma_start3A_176] : memref<22x2048xf32, #tpu.memory_space<vmem>> -> memref<1x2048xf32, #tpu.memory_space<vmem>>
      tpu.enqueue_dma source(%dma_start3A_177 : memref<1x2048xf32, #tpu.memory_space<vmem>>) target(%dma_start3A_175 : memref<1x2048xf32, #tpu.memory_space<hbm>>) target_semaphore(%arg7 : memref<!tpu.dma_semaphore, #tpu.memory_space<semaphore_mem>>)
      %slice3A_178 = vector.extract_strided_slice %get3A_14 {offsets = [11], sizes = [1], strides = [1]} : vector<16xi32> to vector<1xi32>
      %squeeze3A_179 = vector.extract %slice3A_178[0] : i32 from vector<1xi32>
      %mul3A_180 = arith.constant 16 : i32
      %mul3A_181 = arith.muli %scan3A_10, %mul3A_180 : i32
      %add3A_182 = arith.addi %mul3A_2, %mul3A_181 : i32
      %add3A_183 = arith.constant 11 : i32
      %add3A_184 = arith.addi %add3A_182, %add3A_183 : i32
      %dma_start3A_185 = arith.constant 0 : i32
      %dma_start3A_186 = tpu.memref_slice %arg6[%squeeze3A_179, %dma_start3A_185] : memref<22x2048xf32, #tpu.memory_space<vmem>> -> memref<1x2048xf32, #tpu.memory_space<vmem>>
      %dma_start3A_187 = arith.constant 0 : i32
      %dma_start3A_188 = tpu.memref_slice %arg4[%add3A_184, %dma_start3A_187] : memref<8192x2048xf32, #tpu.memory_space<hbm>> -> memref<1x2048xf32, #tpu.memory_space<hbm>>
      %dma_start3A_189 = arith.constant 0 : i32
      %dma_start3A_190 = tpu.memref_slice %arg4[%add3A_184, %dma_start3A_189] : memref<8192x2048xf32, #tpu.memory_space<hbm>> -> memref<1x2048xf32, #tpu.memory_space<hbm>>
      %dma_start3A_191 = arith.constant 0 : i32
      %dma_start3A_192 = tpu.memref_slice %arg6[%squeeze3A_179, %dma_start3A_191] : memref<22x2048xf32, #tpu.memory_space<vmem>> -> memref<1x2048xf32, #tpu.memory_space<vmem>>
      tpu.enqueue_dma source(%dma_start3A_192 : memref<1x2048xf32, #tpu.memory_space<vmem>>) target(%dma_start3A_190 : memref<1x2048xf32, #tpu.memory_space<hbm>>) target_semaphore(%arg7 : memref<!tpu.dma_semaphore, #tpu.memory_space<semaphore_mem>>)
      %slice3A_193 = vector.extract_strided_slice %get3A_14 {offsets = [12], sizes = [1], strides = [1]} : vector<16xi32> to vector<1xi32>
      %squeeze3A_194 = vector.extract %slice3A_193[0] : i32 from vector<1xi32>
      %mul3A_195 = arith.constant 16 : i32
      %mul3A_196 = arith.muli %scan3A_10, %mul3A_195 : i32
      %add3A_197 = arith.addi %mul3A_2, %mul3A_196 : i32
      %add3A_198 = arith.constant 12 : i32
      %add3A_199 = arith.addi %add3A_197, %add3A_198 : i32
      %dma_start3A_200 = arith.constant 0 : i32
      %dma_start3A_201 = tpu.memref_slice %arg6[%squeeze3A_194, %dma_start3A_200] : memref<22x2048xf32, #tpu.memory_space<vmem>> -> memref<1x2048xf32, #tpu.memory_space<vmem>>
      %dma_start3A_202 = arith.constant 0 : i32
      %dma_start3A_203 = tpu.memref_slice %arg4[%add3A_199, %dma_start3A_202] : memref<8192x2048xf32, #tpu.memory_space<hbm>> -> memref<1x2048xf32, #tpu.memory_space<hbm>>
      %dma_start3A_204 = arith.constant 0 : i32
      %dma_start3A_205 = tpu.memref_slice %arg4[%add3A_199, %dma_start3A_204] : memref<8192x2048xf32, #tpu.memory_space<hbm>> -> memref<1x2048xf32, #tpu.memory_space<hbm>>
      %dma_start3A_206 = arith.constant 0 : i32
      %dma_start3A_207 = tpu.memref_slice %arg6[%squeeze3A_194, %dma_start3A_206] : memref<22x2048xf32, #tpu.memory_space<vmem>> -> memref<1x2048xf32, #tpu.memory_space<vmem>>
      tpu.enqueue_dma source(%dma_start3A_207 : memref<1x2048xf32, #tpu.memory_space<vmem>>) target(%dma_start3A_205 : memref<1x2048xf32, #tpu.memory_space<hbm>>) target_semaphore(%arg7 : memref<!tpu.dma_semaphore, #tpu.memory_space<semaphore_mem>>)
      %slice3A_208 = vector.extract_strided_slice %get3A_14 {offsets = [13], sizes = [1], strides = [1]} : vector<16xi32> to vector<1xi32>
      %squeeze3A_209 = vector.extract %slice3A_208[0] : i32 from vector<1xi32>
      %mul3A_210 = arith.constant 16 : i32
      %mul3A_211 = arith.muli %scan3A_10, %mul3A_210 : i32
      %add3A_212 = arith.addi %mul3A_2, %mul3A_211 : i32
      %add3A_213 = arith.constant 13 : i32
      %add3A_214 = arith.addi %add3A_212, %add3A_213 : i32
      %dma_start3A_215 = arith.constant 0 : i32
      %dma_start3A_216 = tpu.memref_slice %arg6[%squeeze3A_209, %dma_start3A_215] : memref<22x2048xf32, #tpu.memory_space<vmem>> -> memref<1x2048xf32, #tpu.memory_space<vmem>>
      %dma_start3A_217 = arith.constant 0 : i32
      %dma_start3A_218 = tpu.memref_slice %arg4[%add3A_214, %dma_start3A_217] : memref<8192x2048xf32, #tpu.memory_space<hbm>> -> memref<1x2048xf32, #tpu.memory_space<hbm>>
      %dma_start3A_219 = arith.constant 0 : i32
      %dma_start3A_220 = tpu.memref_slice %arg4[%add3A_214, %dma_start3A_219] : memref<8192x2048xf32, #tpu.memory_space<hbm>> -> memref<1x2048xf32, #tpu.memory_space<hbm>>
      %dma_start3A_221 = arith.constant 0 : i32
      %dma_start3A_222 = tpu.memref_slice %arg6[%squeeze3A_209, %dma_start3A_221] : memref<22x2048xf32, #tpu.memory_space<vmem>> -> memref<1x2048xf32, #tpu.memory_space<vmem>>
      tpu.enqueue_dma source(%dma_start3A_222 : memref<1x2048xf32, #tpu.memory_space<vmem>>) target(%dma_start3A_220 : memref<1x2048xf32, #tpu.memory_space<hbm>>) target_semaphore(%arg7 : memref<!tpu.dma_semaphore, #tpu.memory_space<semaphore_mem>>)
      %slice3A_223 = vector.extract_strided_slice %get3A_14 {offsets = [14], sizes = [1], strides = [1]} : vector<16xi32> to vector<1xi32>
      %squeeze3A_224 = vector.extract %slice3A_223[0] : i32 from vector<1xi32>
      %mul3A_225 = arith.constant 16 : i32
      %mul3A_226 = arith.muli %scan3A_10, %mul3A_225 : i32
      %add3A_227 = arith.addi %mul3A_2, %mul3A_226 : i32
      %add3A_228 = arith.constant 14 : i32
      %add3A_229 = arith.addi %add3A_227, %add3A_228 : i32
      %dma_start3A_230 = arith.constant 0 : i32
      %dma_start3A_231 = tpu.memref_slice %arg6[%squeeze3A_224, %dma_start3A_230] : memref<22x2048xf32, #tpu.memory_space<vmem>> -> memref<1x2048xf32, #tpu.memory_space<vmem>>
      %dma_start3A_232 = arith.constant 0 : i32
      %dma_start3A_233 = tpu.memref_slice %arg4[%add3A_229, %dma_start3A_232] : memref<8192x2048xf32, #tpu.memory_space<hbm>> -> memref<1x2048xf32, #tpu.memory_space<hbm>>
      %dma_start3A_234 = arith.constant 0 : i32
      %dma_start3A_235 = tpu.memref_slice %arg4[%add3A_229, %dma_start3A_234] : memref<8192x2048xf32, #tpu.memory_space<hbm>> -> memref<1x2048xf32, #tpu.memory_space<hbm>>
      %dma_start3A_236 = arith.constant 0 : i32
      %dma_start3A_237 = tpu.memref_slice %arg6[%squeeze3A_224, %dma_start3A_236] : memref<22x2048xf32, #tpu.memory_space<vmem>> -> memref<1x2048xf32, #tpu.memory_space<vmem>>
      tpu.enqueue_dma source(%dma_start3A_237 : memref<1x2048xf32, #tpu.memory_space<vmem>>) target(%dma_start3A_235 : memref<1x2048xf32, #tpu.memory_space<hbm>>) target_semaphore(%arg7 : memref<!tpu.dma_semaphore, #tpu.memory_space<semaphore_mem>>)
      %slice3A_238 = vector.extract_strided_slice %get3A_14 {offsets = [15], sizes = [1], strides = [1]} : vector<16xi32> to vector<1xi32>
      %squeeze3A_239 = vector.extract %slice3A_238[0] : i32 from vector<1xi32>
      %mul3A_240 = arith.constant 16 : i32
      %mul3A_241 = arith.muli %scan3A_10, %mul3A_240 : i32
      %add3A_242 = arith.addi %mul3A_2, %mul3A_241 : i32
      %add3A_243 = arith.constant 15 : i32
      %add3A_244 = arith.addi %add3A_242, %add3A_243 : i32
      %dma_start3A_245 = arith.constant 0 : i32
      %dma_start3A_246 = tpu.memref_slice %arg6[%squeeze3A_239, %dma_start3A_245] : memref<22x2048xf32, #tpu.memory_space<vmem>> -> memref<1x2048xf32, #tpu.memory_space<vmem>>
      %dma_start3A_247 = arith.constant 0 : i32
      %dma_start3A_248 = tpu.memref_slice %arg4[%add3A_244, %dma_start3A_247] : memref<8192x2048xf32, #tpu.memory_space<hbm>> -> memref<1x2048xf32, #tpu.memory_space<hbm>>
      %dma_start3A_249 = arith.constant 0 : i32
      %dma_start3A_250 = tpu.memref_slice %arg4[%add3A_244, %dma_start3A_249] : memref<8192x2048xf32, #tpu.memory_space<hbm>> -> memref<1x2048xf32, #tpu.memory_space<hbm>>
      %dma_start3A_251 = arith.constant 0 : i32
      %dma_start3A_252 = tpu.memref_slice %arg6[%squeeze3A_239, %dma_start3A_251] : memref<22x2048xf32, #tpu.memory_space<vmem>> -> memref<1x2048xf32, #tpu.memory_space<vmem>>
      tpu.enqueue_dma source(%dma_start3A_252 : memref<1x2048xf32, #tpu.memory_space<vmem>>) target(%dma_start3A_250 : memref<1x2048xf32, #tpu.memory_space<hbm>>) target_semaphore(%arg7 : memref<!tpu.dma_semaphore, #tpu.memory_space<semaphore_mem>>)
      %dma_wait3A_253 = arith.constant 0 : i32
      %dma_wait3A_254 = tpu.memref_slice %arg6[%squeeze3A, %dma_wait3A_253] : memref<22x2048xf32, #tpu.memory_space<vmem>> -> memref<1x2048xf32, #tpu.memory_space<vmem>>
      %dma_wait3A_255 = arith.constant 0 : i32
      %dma_wait3A_256 = tpu.memref_slice %arg4[%add3A_19, %dma_wait3A_255] : memref<8192x2048xf32, #tpu.memory_space<hbm>> -> memref<1x2048xf32, #tpu.memory_space<hbm>>
      %dma_wait3A_257 = arith.constant 0 : i32
      %dma_wait3A_258 = tpu.memref_slice %arg4[%add3A_19, %dma_wait3A_257] : memref<8192x2048xf32, #tpu.memory_space<hbm>> -> memref<1x2048xf32, #tpu.memory_space<hbm>>
      %dma_wait3A_259 = arith.constant 0 : i32
      %dma_wait3A_260 = tpu.memref_slice %arg6[%squeeze3A, %dma_wait3A_259] : memref<22x2048xf32, #tpu.memory_space<vmem>> -> memref<1x2048xf32, #tpu.memory_space<vmem>>
      tpu.wait_dma2 semaphore(%arg7 : memref<!tpu.dma_semaphore, #tpu.memory_space<semaphore_mem>>) src(%dma_wait3A_260 : memref<1x2048xf32, #tpu.memory_space<vmem>>) dst(%dma_wait3A_258 : memref<1x2048xf32, #tpu.memory_space<hbm>>)
      %dma_wait3A_261 = arith.constant 0 : i32
      %dma_wait3A_262 = tpu.memref_slice %arg6[%squeeze3A_29, %dma_wait3A_261] : memref<22x2048xf32, #tpu.memory_space<vmem>> -> memref<1x2048xf32, #tpu.memory_space<vmem>>
      %dma_wait3A_263 = arith.constant 0 : i32
      %dma_wait3A_264 = tpu.memref_slice %arg4[%add3A_34, %dma_wait3A_263] : memref<8192x2048xf32, #tpu.memory_space<hbm>> -> memref<1x2048xf32, #tpu.memory_space<hbm>>
      %dma_wait3A_265 = arith.constant 0 : i32
      %dma_wait3A_266 = tpu.memref_slice %arg4[%add3A_34, %dma_wait3A_265] : memref<8192x2048xf32, #tpu.memory_space<hbm>> -> memref<1x2048xf32, #tpu.memory_space<hbm>>
      %dma_wait3A_267 = arith.constant 0 : i32
      %dma_wait3A_268 = tpu.memref_slice %arg6[%squeeze3A_29, %dma_wait3A_267] : memref<22x2048xf32, #tpu.memory_space<vmem>> -> memref<1x2048xf32, #tpu.memory_space<vmem>>
      tpu.wait_dma2 semaphore(%arg7 : memref<!tpu.dma_semaphore, #tpu.memory_space<semaphore_mem>>) src(%dma_wait3A_268 : memref<1x2048xf32, #tpu.memory_space<vmem>>) dst(%dma_wait3A_266 : memref<1x2048xf32, #tpu.memory_space<hbm>>)
      %dma_wait3A_269 = arith.constant 0 : i32
      %dma_wait3A_270 = tpu.memref_slice %arg6[%squeeze3A_44, %dma_wait3A_269] : memref<22x2048xf32, #tpu.memory_space<vmem>> -> memref<1x2048xf32, #tpu.memory_space<vmem>>
      %dma_wait3A_271 = arith.constant 0 : i32
      %dma_wait3A_272 = tpu.memref_slice %arg4[%add3A_49, %dma_wait3A_271] : memref<8192x2048xf32, #tpu.memory_space<hbm>> -> memref<1x2048xf32, #tpu.memory_space<hbm>>
      %dma_wait3A_273 = arith.constant 0 : i32
      %dma_wait3A_274 = tpu.memref_slice %arg4[%add3A_49, %dma_wait3A_273] : memref<8192x2048xf32, #tpu.memory_space<hbm>> -> memref<1x2048xf32, #tpu.memory_space<hbm>>
      %dma_wait3A_275 = arith.constant 0 : i32
      %dma_wait3A_276 = tpu.memref_slice %arg6[%squeeze3A_44, %dma_wait3A_275] : memref<22x2048xf32, #tpu.memory_space<vmem>> -> memref<1x2048xf32, #tpu.memory_space<vmem>>
      tpu.wait_dma2 semaphore(%arg7 : memref<!tpu.dma_semaphore, #tpu.memory_space<semaphore_mem>>) src(%dma_wait3A_276 : memref<1x2048xf32, #tpu.memory_space<vmem>>) dst(%dma_wait3A_274 : memref<1x2048xf32, #tpu.memory_space<hbm>>)
      %dma_wait3A_277 = arith.constant 0 : i32
      %dma_wait3A_278 = tpu.memref_slice %arg6[%squeeze3A_59, %dma_wait3A_277] : memref<22x2048xf32, #tpu.memory_space<vmem>> -> memref<1x2048xf32, #tpu.memory_space<vmem>>
      %dma_wait3A_279 = arith.constant 0 : i32
      %dma_wait3A_280 = tpu.memref_slice %arg4[%add3A_64, %dma_wait3A_279] : memref<8192x2048xf32, #tpu.memory_space<hbm>> -> memref<1x2048xf32, #tpu.memory_space<hbm>>
      %dma_wait3A_281 = arith.constant 0 : i32
      %dma_wait3A_282 = tpu.memref_slice %arg4[%add3A_64, %dma_wait3A_281] : memref<8192x2048xf32, #tpu.memory_space<hbm>> -> memref<1x2048xf32, #tpu.memory_space<hbm>>
      %dma_wait3A_283 = arith.constant 0 : i32
      %dma_wait3A_284 = tpu.memref_slice %arg6[%squeeze3A_59, %dma_wait3A_283] : memref<22x2048xf32, #tpu.memory_space<vmem>> -> memref<1x2048xf32, #tpu.memory_space<vmem>>
      tpu.wait_dma2 semaphore(%arg7 : memref<!tpu.dma_semaphore, #tpu.memory_space<semaphore_mem>>) src(%dma_wait3A_284 : memref<1x2048xf32, #tpu.memory_space<vmem>>) dst(%dma_wait3A_282 : memref<1x2048xf32, #tpu.memory_space<hbm>>)
      %dma_wait3A_285 = arith.constant 0 : i32
      %dma_wait3A_286 = tpu.memref_slice %arg6[%squeeze3A_74, %dma_wait3A_285] : memref<22x2048xf32, #tpu.memory_space<vmem>> -> memref<1x2048xf32, #tpu.memory_space<vmem>>
      %dma_wait3A_287 = arith.constant 0 : i32
      %dma_wait3A_288 = tpu.memref_slice %arg4[%add3A_79, %dma_wait3A_287] : memref<8192x2048xf32, #tpu.memory_space<hbm>> -> memref<1x2048xf32, #tpu.memory_space<hbm>>
      %dma_wait3A_289 = arith.constant 0 : i32
      %dma_wait3A_290 = tpu.memref_slice %arg4[%add3A_79, %dma_wait3A_289] : memref<8192x2048xf32, #tpu.memory_space<hbm>> -> memref<1x2048xf32, #tpu.memory_space<hbm>>
      %dma_wait3A_291 = arith.constant 0 : i32
      %dma_wait3A_292 = tpu.memref_slice %arg6[%squeeze3A_74, %dma_wait3A_291] : memref<22x2048xf32, #tpu.memory_space<vmem>> -> memref<1x2048xf32, #tpu.memory_space<vmem>>
      tpu.wait_dma2 semaphore(%arg7 : memref<!tpu.dma_semaphore, #tpu.memory_space<semaphore_mem>>) src(%dma_wait3A_292 : memref<1x2048xf32, #tpu.memory_space<vmem>>) dst(%dma_wait3A_290 : memref<1x2048xf32, #tpu.memory_space<hbm>>)
      %dma_wait3A_293 = arith.constant 0 : i32
      %dma_wait3A_294 = tpu.memref_slice %arg6[%squeeze3A_89, %dma_wait3A_293] : memref<22x2048xf32, #tpu.memory_space<vmem>> -> memref<1x2048xf32, #tpu.memory_space<vmem>>
      %dma_wait3A_295 = arith.constant 0 : i32
      %dma_wait3A_296 = tpu.memref_slice %arg4[%add3A_94, %dma_wait3A_295] : memref<8192x2048xf32, #tpu.memory_space<hbm>> -> memref<1x2048xf32, #tpu.memory_space<hbm>>
      %dma_wait3A_297 = arith.constant 0 : i32
      %dma_wait3A_298 = tpu.memref_slice %arg4[%add3A_94, %dma_wait3A_297] : memref<8192x2048xf32, #tpu.memory_space<hbm>> -> memref<1x2048xf32, #tpu.memory_space<hbm>>
      %dma_wait3A_299 = arith.constant 0 : i32
      %dma_wait3A_300 = tpu.memref_slice %arg6[%squeeze3A_89, %dma_wait3A_299] : memref<22x2048xf32, #tpu.memory_space<vmem>> -> memref<1x2048xf32, #tpu.memory_space<vmem>>
      tpu.wait_dma2 semaphore(%arg7 : memref<!tpu.dma_semaphore, #tpu.memory_space<semaphore_mem>>) src(%dma_wait3A_300 : memref<1x2048xf32, #tpu.memory_space<vmem>>) dst(%dma_wait3A_298 : memref<1x2048xf32, #tpu.memory_space<hbm>>)
      %dma_wait3A_301 = arith.constant 0 : i32
      %dma_wait3A_302 = tpu.memref_slice %arg6[%squeeze3A_104, %dma_wait3A_301] : memref<22x2048xf32, #tpu.memory_space<vmem>> -> memref<1x2048xf32, #tpu.memory_space<vmem>>
      %dma_wait3A_303 = arith.constant 0 : i32
      %dma_wait3A_304 = tpu.memref_slice %arg4[%add3A_109, %dma_wait3A_303] : memref<8192x2048xf32, #tpu.memory_space<hbm>> -> memref<1x2048xf32, #tpu.memory_space<hbm>>
      %dma_wait3A_305 = arith.constant 0 : i32
      %dma_wait3A_306 = tpu.memref_slice %arg4[%add3A_109, %dma_wait3A_305] : memref<8192x2048xf32, #tpu.memory_space<hbm>> -> memref<1x2048xf32, #tpu.memory_space<hbm>>
      %dma_wait3A_307 = arith.constant 0 : i32
      %dma_wait3A_308 = tpu.memref_slice %arg6[%squeeze3A_104, %dma_wait3A_307] : memref<22x2048xf32, #tpu.memory_space<vmem>> -> memref<1x2048xf32, #tpu.memory_space<vmem>>
      tpu.wait_dma2 semaphore(%arg7 : memref<!tpu.dma_semaphore, #tpu.memory_space<semaphore_mem>>) src(%dma_wait3A_308 : memref<1x2048xf32, #tpu.memory_space<vmem>>) dst(%dma_wait3A_306 : memref<1x2048xf32, #tpu.memory_space<hbm>>)
      %dma_wait3A_309 = arith.constant 0 : i32
      %dma_wait3A_310 = tpu.memref_slice %arg6[%squeeze3A_119, %dma_wait3A_309] : memref<22x2048xf32, #tpu.memory_space<vmem>> -> memref<1x2048xf32, #tpu.memory_space<vmem>>
      %dma_wait3A_311 = arith.constant 0 : i32
      %dma_wait3A_312 = tpu.memref_slice %arg4[%add3A_124, %dma_wait3A_311] : memref<8192x2048xf32, #tpu.memory_space<hbm>> -> memref<1x2048xf32, #tpu.memory_space<hbm>>
      %dma_wait3A_313 = arith.constant 0 : i32
      %dma_wait3A_314 = tpu.memref_slice %arg4[%add3A_124, %dma_wait3A_313] : memref<8192x2048xf32, #tpu.memory_space<hbm>> -> memref<1x2048xf32, #tpu.memory_space<hbm>>
      %dma_wait3A_315 = arith.constant 0 : i32
      %dma_wait3A_316 = tpu.memref_slice %arg6[%squeeze3A_119, %dma_wait3A_315] : memref<22x2048xf32, #tpu.memory_space<vmem>> -> memref<1x2048xf32, #tpu.memory_space<vmem>>
      tpu.wait_dma2 semaphore(%arg7 : memref<!tpu.dma_semaphore, #tpu.memory_space<semaphore_mem>>) src(%dma_wait3A_316 : memref<1x2048xf32, #tpu.memory_space<vmem>>) dst(%dma_wait3A_314 : memref<1x2048xf32, #tpu.memory_space<hbm>>)
      %dma_wait3A_317 = arith.constant 0 : i32
      %dma_wait3A_318 = tpu.memref_slice %arg6[%squeeze3A_134, %dma_wait3A_317] : memref<22x2048xf32, #tpu.memory_space<vmem>> -> memref<1x2048xf32, #tpu.memory_space<vmem>>
      %dma_wait3A_319 = arith.constant 0 : i32
      %dma_wait3A_320 = tpu.memref_slice %arg4[%add3A_139, %dma_wait3A_319] : memref<8192x2048xf32, #tpu.memory_space<hbm>> -> memref<1x2048xf32, #tpu.memory_space<hbm>>
      %dma_wait3A_321 = arith.constant 0 : i32
      %dma_wait3A_322 = tpu.memref_slice %arg4[%add3A_139, %dma_wait3A_321] : memref<8192x2048xf32, #tpu.memory_space<hbm>> -> memref<1x2048xf32, #tpu.memory_space<hbm>>
      %dma_wait3A_323 = arith.constant 0 : i32
      %dma_wait3A_324 = tpu.memref_slice %arg6[%squeeze3A_134, %dma_wait3A_323] : memref<22x2048xf32, #tpu.memory_space<vmem>> -> memref<1x2048xf32, #tpu.memory_space<vmem>>
      tpu.wait_dma2 semaphore(%arg7 : memref<!tpu.dma_semaphore, #tpu.memory_space<semaphore_mem>>) src(%dma_wait3A_324 : memref<1x2048xf32, #tpu.memory_space<vmem>>) dst(%dma_wait3A_322 : memref<1x2048xf32, #tpu.memory_space<hbm>>)
      %dma_wait3A_325 = arith.constant 0 : i32
      %dma_wait3A_326 = tpu.memref_slice %arg6[%squeeze3A_149, %dma_wait3A_325] : memref<22x2048xf32, #tpu.memory_space<vmem>> -> memref<1x2048xf32, #tpu.memory_space<vmem>>
      %dma_wait3A_327 = arith.constant 0 : i32
      %dma_wait3A_328 = tpu.memref_slice %arg4[%add3A_154, %dma_wait3A_327] : memref<8192x2048xf32, #tpu.memory_space<hbm>> -> memref<1x2048xf32, #tpu.memory_space<hbm>>
      %dma_wait3A_329 = arith.constant 0 : i32
      %dma_wait3A_330 = tpu.memref_slice %arg4[%add3A_154, %dma_wait3A_329] : memref<8192x2048xf32, #tpu.memory_space<hbm>> -> memref<1x2048xf32, #tpu.memory_space<hbm>>
      %dma_wait3A_331 = arith.constant 0 : i32
      %dma_wait3A_332 = tpu.memref_slice %arg6[%squeeze3A_149, %dma_wait3A_331] : memref<22x2048xf32, #tpu.memory_space<vmem>> -> memref<1x2048xf32, #tpu.memory_space<vmem>>
      tpu.wait_dma2 semaphore(%arg7 : memref<!tpu.dma_semaphore, #tpu.memory_space<semaphore_mem>>) src(%dma_wait3A_332 : memref<1x2048xf32, #tpu.memory_space<vmem>>) dst(%dma_wait3A_330 : memref<1x2048xf32, #tpu.memory_space<hbm>>)
      %dma_wait3A_333 = arith.constant 0 : i32
      %dma_wait3A_334 = tpu.memref_slice %arg6[%squeeze3A_164, %dma_wait3A_333] : memref<22x2048xf32, #tpu.memory_space<vmem>> -> memref<1x2048xf32, #tpu.memory_space<vmem>>
      %dma_wait3A_335 = arith.constant 0 : i32
      %dma_wait3A_336 = tpu.memref_slice %arg4[%add3A_169, %dma_wait3A_335] : memref<8192x2048xf32, #tpu.memory_space<hbm>> -> memref<1x2048xf32, #tpu.memory_space<hbm>>
      %dma_wait3A_337 = arith.constant 0 : i32
      %dma_wait3A_338 = tpu.memref_slice %arg4[%add3A_169, %dma_wait3A_337] : memref<8192x2048xf32, #tpu.memory_space<hbm>> -> memref<1x2048xf32, #tpu.memory_space<hbm>>
      %dma_wait3A_339 = arith.constant 0 : i32
      %dma_wait3A_340 = tpu.memref_slice %arg6[%squeeze3A_164, %dma_wait3A_339] : memref<22x2048xf32, #tpu.memory_space<vmem>> -> memref<1x2048xf32, #tpu.memory_space<vmem>>
      tpu.wait_dma2 semaphore(%arg7 : memref<!tpu.dma_semaphore, #tpu.memory_space<semaphore_mem>>) src(%dma_wait3A_340 : memref<1x2048xf32, #tpu.memory_space<vmem>>) dst(%dma_wait3A_338 : memref<1x2048xf32, #tpu.memory_space<hbm>>)
      %dma_wait3A_341 = arith.constant 0 : i32
      %dma_wait3A_342 = tpu.memref_slice %arg6[%squeeze3A_179, %dma_wait3A_341] : memref<22x2048xf32, #tpu.memory_space<vmem>> -> memref<1x2048xf32, #tpu.memory_space<vmem>>
      %dma_wait3A_343 = arith.constant 0 : i32
      %dma_wait3A_344 = tpu.memref_slice %arg4[%add3A_184, %dma_wait3A_343] : memref<8192x2048xf32, #tpu.memory_space<hbm>> -> memref<1x2048xf32, #tpu.memory_space<hbm>>
      %dma_wait3A_345 = arith.constant 0 : i32
      %dma_wait3A_346 = tpu.memref_slice %arg4[%add3A_184, %dma_wait3A_345] : memref<8192x2048xf32, #tpu.memory_space<hbm>> -> memref<1x2048xf32, #tpu.memory_space<hbm>>
      %dma_wait3A_347 = arith.constant 0 : i32
      %dma_wait3A_348 = tpu.memref_slice %arg6[%squeeze3A_179, %dma_wait3A_347] : memref<22x2048xf32, #tpu.memory_space<vmem>> -> memref<1x2048xf32, #tpu.memory_space<vmem>>
      tpu.wait_dma2 semaphore(%arg7 : memref<!tpu.dma_semaphore, #tpu.memory_space<semaphore_mem>>) src(%dma_wait3A_348 : memref<1x2048xf32, #tpu.memory_space<vmem>>) dst(%dma_wait3A_346 : memref<1x2048xf32, #tpu.memory_space<hbm>>)
      %dma_wait3A_349 = arith.constant 0 : i32
      %dma_wait3A_350 = tpu.memref_slice %arg6[%squeeze3A_194, %dma_wait3A_349] : memref<22x2048xf32, #tpu.memory_space<vmem>> -> memref<1x2048xf32, #tpu.memory_space<vmem>>
      %dma_wait3A_351 = arith.constant 0 : i32
      %dma_wait3A_352 = tpu.memref_slice %arg4[%add3A_199, %dma_wait3A_351] : memref<8192x2048xf32, #tpu.memory_space<hbm>> -> memref<1x2048xf32, #tpu.memory_space<hbm>>
      %dma_wait3A_353 = arith.constant 0 : i32
      %dma_wait3A_354 = tpu.memref_slice %arg4[%add3A_199, %dma_wait3A_353] : memref<8192x2048xf32, #tpu.memory_space<hbm>> -> memref<1x2048xf32, #tpu.memory_space<hbm>>
      %dma_wait3A_355 = arith.constant 0 : i32
      %dma_wait3A_356 = tpu.memref_slice %arg6[%squeeze3A_194, %dma_wait3A_355] : memref<22x2048xf32, #tpu.memory_space<vmem>> -> memref<1x2048xf32, #tpu.memory_space<vmem>>
      tpu.wait_dma2 semaphore(%arg7 : memref<!tpu.dma_semaphore, #tpu.memory_space<semaphore_mem>>) src(%dma_wait3A_356 : memref<1x2048xf32, #tpu.memory_space<vmem>>) dst(%dma_wait3A_354 : memref<1x2048xf32, #tpu.memory_space<hbm>>)
      %dma_wait3A_357 = arith.constant 0 : i32
      %dma_wait3A_358 = tpu.memref_slice %arg6[%squeeze3A_209, %dma_wait3A_357] : memref<22x2048xf32, #tpu.memory_space<vmem>> -> memref<1x2048xf32, #tpu.memory_space<vmem>>
      %dma_wait3A_359 = arith.constant 0 : i32
      %dma_wait3A_360 = tpu.memref_slice %arg4[%add3A_214, %dma_wait3A_359] : memref<8192x2048xf32, #tpu.memory_space<hbm>> -> memref<1x2048xf32, #tpu.memory_space<hbm>>
      %dma_wait3A_361 = arith.constant 0 : i32
      %dma_wait3A_362 = tpu.memref_slice %arg4[%add3A_214, %dma_wait3A_361] : memref<8192x2048xf32, #tpu.memory_space<hbm>> -> memref<1x2048xf32, #tpu.memory_space<hbm>>
      %dma_wait3A_363 = arith.constant 0 : i32
      %dma_wait3A_364 = tpu.memref_slice %arg6[%squeeze3A_209, %dma_wait3A_363] : memref<22x2048xf32, #tpu.memory_space<vmem>> -> memref<1x2048xf32, #tpu.memory_space<vmem>>
      tpu.wait_dma2 semaphore(%arg7 : memref<!tpu.dma_semaphore, #tpu.memory_space<semaphore_mem>>) src(%dma_wait3A_364 : memref<1x2048xf32, #tpu.memory_space<vmem>>) dst(%dma_wait3A_362 : memref<1x2048xf32, #tpu.memory_space<hbm>>)
      %dma_wait3A_365 = arith.constant 0 : i32
      %dma_wait3A_366 = tpu.memref_slice %arg6[%squeeze3A_224, %dma_wait3A_365] : memref<22x2048xf32, #tpu.memory_space<vmem>> -> memref<1x2048xf32, #tpu.memory_space<vmem>>
      %dma_wait3A_367 = arith.constant 0 : i32
      %dma_wait3A_368 = tpu.memref_slice %arg4[%add3A_229, %dma_wait3A_367] : memref<8192x2048xf32, #tpu.memory_space<hbm>> -> memref<1x2048xf32, #tpu.memory_space<hbm>>
      %dma_wait3A_369 = arith.constant 0 : i32
      %dma_wait3A_370 = tpu.memref_slice %arg4[%add3A_229, %dma_wait3A_369] : memref<8192x2048xf32, #tpu.memory_space<hbm>> -> memref<1x2048xf32, #tpu.memory_space<hbm>>
      %dma_wait3A_371 = arith.constant 0 : i32
      %dma_wait3A_372 = tpu.memref_slice %arg6[%squeeze3A_224, %dma_wait3A_371] : memref<22x2048xf32, #tpu.memory_space<vmem>> -> memref<1x2048xf32, #tpu.memory_space<vmem>>
      tpu.wait_dma2 semaphore(%arg7 : memref<!tpu.dma_semaphore, #tpu.memory_space<semaphore_mem>>) src(%dma_wait3A_372 : memref<1x2048xf32, #tpu.memory_space<vmem>>) dst(%dma_wait3A_370 : memref<1x2048xf32, #tpu.memory_space<hbm>>)
      %dma_wait3A_373 = arith.constant 0 : i32
      %dma_wait3A_374 = tpu.memref_slice %arg6[%squeeze3A_239, %dma_wait3A_373] : memref<22x2048xf32, #tpu.memory_space<vmem>> -> memref<1x2048xf32, #tpu.memory_space<vmem>>
      %dma_wait3A_375 = arith.constant 0 : i32
      %dma_wait3A_376 = tpu.memref_slice %arg4[%add3A_244, %dma_wait3A_375] : memref<8192x2048xf32, #tpu.memory_space<hbm>> -> memref<1x2048xf32, #tpu.memory_space<hbm>>
      %dma_wait3A_377 = arith.constant 0 : i32
      %dma_wait3A_378 = tpu.memref_slice %arg4[%add3A_244, %dma_wait3A_377] : memref<8192x2048xf32, #tpu.memory_space<hbm>> -> memref<1x2048xf32, #tpu.memory_space<hbm>>
      %dma_wait3A_379 = arith.constant 0 : i32
      %dma_wait3A_380 = tpu.memref_slice %arg6[%squeeze3A_239, %dma_wait3A_379] : memref<22x2048xf32, #tpu.memory_space<vmem>> -> memref<1x2048xf32, #tpu.memory_space<vmem>>
      tpu.wait_dma2 semaphore(%arg7 : memref<!tpu.dma_semaphore, #tpu.memory_space<semaphore_mem>>) src(%dma_wait3A_380 : memref<1x2048xf32, #tpu.memory_space<vmem>>) dst(%dma_wait3A_378 : memref<1x2048xf32, #tpu.memory_space<hbm>>)
    }
    %scan3A_9 = arith.constant 16 : i32
    return
  }
}

module attributes {stable_mosaic.version = 14 : i64} {
  func.func @_norm_body(%arg0: memref<22x2048xf32, #tpu.memory_space<vmem>>, %arg1: memref<1x2048xf32, #tpu.memory_space<vmem>>, %arg2: memref<1x2048xf32, #tpu.memory_space<vmem>>, %arg3: memref<22x2048xf32, #tpu.memory_space<vmem>>) attributes {dimension_semantics = [], scalar_prefetch = 0 : i64, scratch_operands = 0 : i64, tpu.core_type = #tpu.core_type<tc>} {
    %get3A = arith.constant 0 : index
    %get3A_0 = arith.constant 0 : index
    %get3A_1 = vector.load %arg0[%get3A, %get3A_0] : memref<22x2048xf32, #tpu.memory_space<vmem>>, vector<22x2048xf32>
    %reduce_sum3A = arith.constant dense<0.000000e+00> : vector<22xf32>
    %reduce_sum3A_2 = vector.multi_reduction <add>, %get3A_1, %reduce_sum3A [1] : vector<22x2048xf32> to vector<22xf32>
    %broadcast_in_dim3A = vector.shape_cast %reduce_sum3A_2 : vector<22xf32> to vector<22x1xf32>
    %div3A = arith.constant 2.048000e+03 : f32
    %div3A_3 = vector.broadcast %div3A : f32 to vector<22x1xf32>
    %div3A_4 = arith.divf %broadcast_in_dim3A, %div3A_3 : vector<22x1xf32>
    %sub3A = vector.broadcast %div3A_4 : vector<22x1xf32> to vector<22x2048xf32>
    %sub3A_5 = arith.subf %get3A_1, %sub3A : vector<22x2048xf32>
    %mul3A = arith.mulf %sub3A_5, %sub3A_5 : vector<22x2048xf32>
    %reduce_sum3A_6 = arith.constant dense<0.000000e+00> : vector<22xf32>
    %reduce_sum3A_7 = vector.multi_reduction <add>, %mul3A, %reduce_sum3A_6 [1] : vector<22x2048xf32> to vector<22xf32>
    %broadcast_in_dim3A_8 = vector.shape_cast %reduce_sum3A_7 : vector<22xf32> to vector<22x1xf32>
    %div3A_9 = arith.constant 2.048000e+03 : f32
    %div3A_10 = vector.broadcast %div3A_9 : f32 to vector<22x1xf32>
    %div3A_11 = arith.divf %broadcast_in_dim3A_8, %div3A_10 : vector<22x1xf32>
    %add3A = arith.constant 9.99999996E-13 : f32
    %add3A_12 = vector.broadcast %add3A : f32 to vector<22x1xf32>
    %add3A_13 = arith.addf %div3A_11, %add3A_12 : vector<22x1xf32>
    %rsqrt3A = math.rsqrt %add3A_13 : vector<22x1xf32>
    %mul3A_14 = vector.broadcast %rsqrt3A : vector<22x1xf32> to vector<22x2048xf32>
    %mul3A_15 = arith.mulf %sub3A_5, %mul3A_14 : vector<22x2048xf32>
    %get3A_16 = arith.constant 0 : index
    %get3A_17 = arith.constant 0 : index
    %get3A_18 = vector.load %arg1[%get3A_16, %get3A_17] : memref<1x2048xf32, #tpu.memory_space<vmem>>, vector<1x2048xf32>
    %mul3A_19 = vector.broadcast %get3A_18 : vector<1x2048xf32> to vector<22x2048xf32>
    %mul3A_20 = arith.mulf %mul3A_15, %mul3A_19 : vector<22x2048xf32>
    %get3A_21 = arith.constant 0 : index
    %get3A_22 = arith.constant 0 : index
    %get3A_23 = vector.load %arg2[%get3A_21, %get3A_22] : memref<1x2048xf32, #tpu.memory_space<vmem>>, vector<1x2048xf32>
    %add3A_24 = vector.broadcast %get3A_23 : vector<1x2048xf32> to vector<22x2048xf32>
    %add3A_25 = arith.addf %mul3A_20, %add3A_24 : vector<22x2048xf32>
    %swap3A = arith.constant 0 : index
    %swap3A_26 = arith.constant 0 : index
    %swap3A_27 = vector.load %arg3[%swap3A, %swap3A_26] : memref<22x2048xf32, #tpu.memory_space<vmem>>, vector<22x2048xf32>
    tpu.vector_store %arg3[%swap3A, %swap3A_26], %add3A_25 {strides = array<i32>} : memref<22x2048xf32, #tpu.memory_space<vmem>>, vector<22x2048xf32>,
    return
  }
}

</mosaic_0001>

<sc_bundles>
// kernel: kernel.4.cloned.1.call-start
scs
__scs_entry_jumppad:
0x0: {  	(pc) =	sbr.rel $0x88, $3  }
0x1: {  	(tag) =	ssettag $0x0;
	lr =	simm.s32 $0x1  }
0x2: {  	[smem:$0x3F9D] =	sst lr;
	_ =	strace $0xD0000000  }
0x3: {  	_ = 	snop  }
0x4: {  	_ = 	snop  }
0x5: {  	_ = 	snop  }
0x6: {  	_ = 	snop  }
0x7: {  	_ = 	snop  }
__scs_overlays_trampoline_lowered:
0x8: {  	[smem:$0x3FAC] =	sst s0  }
0x9: {  	[smem:$0x3FAD] =	sst s1  }
0xa: {  	[smem:$0x3FAE] =	sst s2  }
0xb: {  	[smem:$0x3FAF] =	sst s3  }
0xc: {  	[smem:$0x3FB0] =	sst s4  }
0xd: {  	[smem:$0x3FB1] =	sst s5  }
0xe: {  	[smem:$0x3FB2] =	sst s6  }
0xf: {  	[smem:$0x3FB3] =	sst s7  }
0x10: {  	[smem:$0x3FB4] =	sst s8  }
0x11: {  	[smem:$0x3FB5] =	sst s9;
	s0 =	simm.s32 @!p0 $0x0  }
0x12: {  	s1 =	sld [smem:$0x3F9B];
	s0 =	simm.s32 @p0 $0x1  }
0x13: {  	[smem:$0x3FB6] =	sst s0;
	s0 =	simm.s32 @!p1 $0x0  }
0x14: {  	s2 =	sld [smem:$0x3F9A];
	s0 =	simm.s32 @p1 $0x1  }
0x15: {  	[smem:$0x3FB7] =	sst s0;
	s0 =	simm.s32 @!p2 $0x0  }
0x16: {  	s3 =	sld [smem:$0x3FDB];
	s0 =	simm.s32 @p2 $0x1  }
0x17: {  	s4 =	simm.s32 $0x1BF5;
	[smem:$0x3FB9] =	sst s0  }
0x18: {  	s0 =	sld [smem:$0x3F9C];
	_ =	swait.ge [sflag:s4], $0x0  }
0x19: {  	s7 =	sld [smem:$0x3F9D]  }
0x1a: {  	s8 =	sadd.s32 $0xFFFFE003, lr  }
0x1b: {  	s9 =	sadd.s32 $0xFFFFFEF7, lr;
	s5 =	simm.s32 $0xFFFFFFFF;
	p2 =	slt.u32 s8, $0xFFFFF086  }
0x1c: {  	p1 =	slt.u32 s9, $0xF7A;
	s5 =	simm.s32 @!p2 $0x0  }
0x1d: {  	s5 =	simm.s32 @p1 $0x1;
	p0 =	seq.s32 s7, s2  }
0x1e: {  	s7 =	smul.u32 @!p0 $0xF7A, s2;
	p2 =	seq.s32 @!p0 s5, $0x0  }
0x1f: {  	s9 =	smul.u32 $0xF7A, s1;
	s8 =	simm.s32 @!p0 $0x1BF5;
	p2 =	por !p2, p0  }
0x20: {  	[sflag:s8] =	ssyncset.s32 @!p0 $0xFFFFF086;
	s6 =	sadd.s32 @!p0 s3, s7;
	s7 =	simm.s32 @!p0 $0x108  }
0x21: {  	s3 =	sadd.s32 s3, s9;
	s6 =	sadd.s32 @!p0 $0x88, s6;
	s7 =	simm.s32 @p2 $0x1082  }
0x22: {  	[simem:s7], [sflag:s8] =	dma.local @!p0 [hbm:s6], $0xF7A  }
0x23: {  	s9 =	sor.u32 $0xD0000000, s2;
	s6 =	simm.s32 $0x108;
	_ =	swait.ge @!p0 [sflag:s8], $0x0  }
0x24: {  	s3 =	sadd.s32 $0x88, s3;
	s6 =	simm.s32 @!p1 $0x1082;
	[sflag:s4] =	ssyncset.s32 $0xFFFFF086  }
0x25: {  	[simem:s6], [sflag:s4] =	dma.local [hbm:s3], $0xF7A  }
0x26: {  	[smem:$0x3F9D] =	sst s1;
	(tag) =	ssettag s2;
	_ =	strace s9  }
0x27: {  	s1 =	sld [smem:$0x3FAD]  }
0x28: {  	s2 =	sld [smem:$0x3FAE]  }
0x29: {  	s4 =	sld [smem:$0x3FB0]  }
0x2a: {  	p0 =	seq.s32 s5, $0x0;
	s5 =	sld [smem:$0x3FB1]  }
0x2b: {  	s6 =	sld [smem:$0x3FB2]  }
0x2c: {  	s7 =	sld [smem:$0x3FB3]  }
0x2d: {  	s3 =	simm.s32 $0x108;
	s8 =	sld [smem:$0x3FB4]  }
0x2e: {  	s3 =	simm.s32 @!p0 $0x1082;
	s9 =	sld [smem:$0x3FB5]  }
0x2f: {  	lr =	sadd.s32 s0, s3;
	s0 =	sld [smem:$0x3FAC]  }
0x30: {  	s3 =	sld [smem:$0x3FAF]  }
0x31: {  	[smem:$0x3FB8] =	sst s10  }
0x32: {  	s10 =	sld [smem:$0x3FB6];
	_ =	sdelay $0x3  }
0x33: {  	p0 =	seq.s32 s10, $0x1;
	s10 =	sld [smem:$0x3FB8];
	_ =	sdelay $0x3  }
0x34: {  	[smem:$0x3FB8] =	sst s10  }
0x35: {  	s10 =	sld [smem:$0x3FB7];
	_ =	sdelay $0x3  }
0x36: {  	p1 =	seq.s32 s10, $0x1;
	s10 =	sld [smem:$0x3FB8];
	_ =	sdelay $0x3  }
0x37: {  	[smem:$0x3FB8] =	sst s10  }
0x38: {  	s10 =	sld [smem:$0x3FB9]  }
0x39: {  	_ = 	snop;
	(pc) =	sbr.ind lr, $3  }
0x3a: {  	_ = 	snop  }
0x3b: {  	_ = 	snop  }
0x3c: {  	p2 =	seq.s32 s10, $0x1;
	s10 =	sld [smem:$0x3FB8]  }
0x3d: {  	_ =	shalt  }
0x3e: {  	_ =	shalt  }
0x3f: {  	_ =	shalt  }
0x40: {  	_ =	shalt  }
0x41: {  	_ =	shalt  }
0x42: {  	_ =	shalt  }
0x43: {  	_ =	shalt  }
0x44: {  	_ =	shalt  }
0x45: {  	_ =	shalt  }
0x46: {  	_ =	shalt  }
0x47: {  	_ =	shalt  }
0x48: {  	_ =	shalt  }
0x49: {  	_ =	shalt  }
0x4a: {  	_ =	shalt  }
0x4b: {  	_ =	shalt  }
0x4c: {  	_ =	shalt  }
0x4d: {  	_ =	shalt  }
0x4e: {  	_ =	shalt  }
0x4f: {  	_ =	shalt  }
0x50: {  	_ =	shalt  }
0x51: {  	_ =	shalt  }
0x52: {  	_ =	shalt  }
0x53: {  	_ =	shalt  }
0x54: {  	_ =	shalt  }
0x55: {  	_ =	shalt  }
0x56: {  	_ =	shalt  }
0x57: {  	_ =	shalt  }
0x58: {  	_ =	shalt  }
0x59: {  	_ =	shalt  }
0x5a: {  	_ =	shalt  }
0x5b: {  	_ =	shalt  }
0x5c: {  	_ =	shalt  }
0x5d: {  	_ =	shalt  }
0x5e: {  	_ =	shalt  }
0x5f: {  	_ =	shalt  }
0x60: {  	_ =	shalt  }
0x61: {  	_ =	shalt  }
0x62: {  	_ =	shalt  }
0x63: {  	_ =	shalt  }
0x64: {  	_ =	shalt  }
0x65: {  	_ =	shalt  }
0x66: {  	_ =	shalt  }
0x67: {  	_ =	shalt  }
0x68: {  	_ =	shalt  }
0x69: {  	_ =	shalt  }
0x6a: {  	_ =	shalt  }
0x6b: {  	_ =	shalt  }
0x6c: {  	_ =	shalt  }
0x6d: {  	_ =	shalt  }
0x6e: {  	_ =	shalt  }
0x6f: {  	_ =	shalt  }
0x70: {  	_ =	shalt  }
0x71: {  	_ =	shalt  }
0x72: {  	_ =	shalt  }
0x73: {  	_ =	shalt  }
0x74: {  	_ =	shalt  }
0x75: {  	_ =	shalt  }
0x76: {  	_ =	shalt  }
0x77: {  	_ =	shalt  }
0x78: {  	_ =	shalt  }
0x79: {  	_ =	shalt  }
0x7a: {  	_ =	shalt  }
0x7b: {  	_ =	shalt  }
0x7c: {  	_ =	shalt  }
0x7d: {  	_ =	shalt  }
0x7e: {  	_ =	shalt  }
0x7f: {  	_ =	shalt  }
0x80: {  	_ =	shalt  }
0x81: {  	_ =	shalt  }
0x82: {  	_ =	shalt  }
0x83: {  	_ =	shalt  }
0x84: {  	_ =	shalt  }
0x85: {  	_ =	shalt  }
0x86: {  	_ =	shalt  }
0x87: {  	_ =	shalt  }
.Lfunc_end0:
.L_simem_size_0:
called_computation_lowered:
.L_overlay_start_0:
0x88: {  	s2 =	sld [smem:$0x3FD9]  }
0x89: {  	s3 =	sld [smem:$0x3FFE];
	_ =	sdelay $0x1  }
0x8a: {  	s1 =	srdreg.scid  }
0x8b: {  	s0 =	sand.u32 $0x1, s1  }
0x8c: {  	s17 =	sshll.u32 s0, $0xA;
	s2 =	sadd.s32 s3, s2  }
0x8d: {  	s2 =	sadd.s32 s2, s17  }
0x8e: {  	[smem:$0x3FC4] =	sst s2  }
0x8f: {  	_ = 	snop  }
0x90: {  	s2 =	sld [smem:$0x3FD0];
	(tm) =	ssettm $0x1  }
0x91: {  	s18 =	sld [smem:$0x3FFB];
	_ =	sdelay $0x3  }
0x92: {  	_ =	strace s18  }
0x93: {  	s3 =	sld [smem:$0x3FFC];
	_ =	sdelay $0x3  }
0x94: {  	_ =	strace s3  }
0x95: {  	s3 =	sld [smem:$0x3FFD];
	_ =	sdelay $0x3  }
0x96: {  	_ =	strace s3  }
0x97: {  	_ =	strace $0x8FFFFFFF  }
0x98: {  	s19 =	sld [smem:$0x3FDB];
	_ =	sdelay $0x1  }
0x99: {  	s4 =	simm.s32 $_scs_section_size  }
0x9a: {  	s5 =	simm.s32 $_size__tile_overlayer_lowered;
	s6 =	simm.s32 $_tile_overlayer_lowered  }
0x9b: {  	s22 =	simm.s32 $0x1BFF;
	s21 =	sshll.u32 s6, $0x1;
	s3 =	sadd.s32 s4, s19  }
0x9c: {  	s7 =	simm.s32 $0x0;
	s20 =	sshll.u32 s5, $0x1;
	s5 =	sadd.s32 s21, s3  }
0x9d: {  	[timem:s7], [sflag:s22] =	dma.local [hbm:s5], s20  }
0x9e: {  	_ =	swait.ge [sflag:s22], s20  }
0x9f: {  	s4 =	ssub.s32 $0x0, s20;
	[sflag:s22] =	ssyncset.done $0x0  }
0xa0: {  	[sflag:s22] =	ssyncadd.s32 s4;
	_ =	sdelay $0x1  }
0xa1: {  	s23 =	simm.s32 $0x1B8B  }
0xa2: {  	_ =	swait.ge [sflag:s23], $0x1  }
0xa3: {  	[sflag:s23] =	ssyncset.done $0x0  }
0xa4: {  	s25 =	simm.s32 $0x1B8E;
	s24 =	sld [smem:$0x3FFE];
	[sflag:s23] =	ssyncadd.s32 $0xFFFFFFFF  }
0xa5: {  	s26 =	simm.s32 $execute0_lowered;
	[smem:$0x3FD2] =	sst s25  }
0xa6: {  	s5 =	sshll.u32 s26, $0x1;
	_ =	strace $0x80000046;
	[dreg:$0x1] =	wrdreg $0xFFFFFFFF  }
0xa7: {  	s28 =	simm.s32 $_size_execute0_lowered;
	s3 =	sadd.s32 s3, s5;
	[dreg:$0x0] =	wrdreg $0x0  }
0xa8: {  	s5 =	sshll.u32 s28, $0x1;
	[dreg:$0x2] =	wrdreg s3  }
0xa9: {  	[dreg:$0x3] =	wrdreg s5  }
0xaa: {  	[dreg:$0x4] =	wrdreg $0xC0  }
0xab: {  	_ =	task [dreg:s7], $0x5FFFF  }
0xac: {  	[dreg:$0x1] =	wrdreg $0xFFFFFFFF  }
0xad: {  	[dreg:$0x0] =	wrdreg $0x60  }
0xae: {  	[dreg:$0x2] =	wrdreg s24  }
0xaf: {  	[dreg:$0x3] =	wrdreg s2  }
0xb0: {  	[dreg:$0x4] =	wrdreg $0x9  }
0xb1: {  	_ =	task.clear_ibuf [dreg:s7], $0x5FFFF;
	_ =	strace $0x90000046  }
0xb2: {  	s29 =	simm.s32 $0x9;
	_ =	strace $0x80000048  }
0xb3: {  	_ =	swait.ge [sflag:s29], $0x1  }
0xb4: {  	[sflag:s29] =	ssyncadd.s32 $0xFFFFFFFF  }
0xb5: {  	_ =	strace $0x90000048  }
0xb6: {  	_ =	sfence  }
0xb7: {  	s30 =	sld [smem:$0x0];
	_ =	sdelay $0x2  }
0xb8: {  	s31 =	sshll.u32 s1, $0xD;
	s1 =	sshrl.u32 s1, $0x2  }
0xb9: {  	s3 =	sand.u32 $0x4000, s31;
	s1 =	sadd.s32 s1, s30  }
0xba: {  	s0 =	sor.u32 s3, s0;
	s1 =	sshll.u32 s1, $0x11  }
0xbb: {  	s0 =	sor.u32 s1, s0  }
0xbc: {  	s0 =	sadd.s32 $0x8F2B, s0  }
0xbd: {  	[sflag:s0] =	ssyncadd.remote.s32 $0x1  }
0xbe: {  	_ =	sfence.sel $0xFFFF  }
0xbf: {  	[dreg:$0x0] =	wrdreg $0xFFFFFFFF;
	(pc) =	sbr.abs _section_cstart, $3  }
0xc0: {  	[dreg:$0x1] =	wrdreg $0xFFFFFFFF  }
0xc1: {  	_ =	task.clear_ibuf [dreg:s7], $0x2FFFF;
	_ =	strace $0x9FFFFFFF  }
0xc2: {  	(tm) =	ssettm $0x7FFFFFFF  }
0xc3: {  	_ =	shalt  }
tec
execute0_lowered:
.L_overlay_start_1:
0x0: {  	(tag) =	ssettag $0x1  }
0x1: {  	s1 =	srdreg.scid;
	s3 =	rddreg [dreg:$0x0]  }
0x2: {  	s0 =	stileid.u32;
	s5 =	rddreg [dreg:$0x1];
	s2 =	simm.s32 $0x0  }
0x3: {  	s4 =	sand.u32 $0x1, s1;
	s6 =	sshll.u32 s0, $0x9;
	s1 =	rddreg [dreg:$0x2]  }
0x4: {  	[smem:$0x7FF] =	sst s2;
	s8 =	sshll.u32 s0, $0x11;
	s7 =	sshll.u32 s4, $0x8  }
0x5: {  	_ =	strace $0x80000047;
	s29 =	ssub.s32 $0x2, s4;
	s5 =	sadd.s32 s8, s5  }
0x6: {  	s30 =	sshll.u32 s4, $0x10;
	s8 =	simm.s32 $0x1;
	s6 =	sor.u32 s7, s6  }
0x7: {  	s9 =	sshrl.u32 s29, $0x1;
	s31 =	sadd.s32 s30, s5;
	s6 =	sshrl.u32 s6, $0x3  }
0x8: {  	s7 =	ssub.s32 s29, s9;
	[dreg:$0x3] =	wrdreg s31;
	s9 =	simm.s32 $0x0  }
0x9: {  	s6 =	sadd.s32 s6, s3;
	s3 =	sadd.s32 $0x1000, s3;
	s5 =	smax.u32 s7, $0x1  }
0xa: {  	s7 =	simm.s32 $0x2;
	s4 =	sadd.s32 $0xC00, s6;
	s6 =	simm.s32 $0x100  }
.LBB2_1:
0xb: {  	[tilespmem:s2], [sflag:$0x2] =	stream.linear.gather [hbm4b:s4+s2], $0x100, $0x38;
	[tilespmem:$0xC100] =	vst v63  }
0xc: {  	_ = 	snop  }
0xd: {  	[tilespmem:s6], [sflag:$0x2] =	stream.linear.gather [hbm4b:s3+s2], $0xC000, $0x38;
	[tilespmem:$0xC100] =	vst v63  }
0xe: {  	_ =	swait.ge [sflag:s7], $0x100  }
0xf: {  	[sflag:s7] =	ssyncset.done $0x0  }
0x10: {  	[sflag:s7] =	ssyncadd.s32 $0xFFFFFF00  }
0x11: {  	_ =	swait.ge [sflag:s7], $0xC000  }
0x12: {  	[sflag:s7] =	ssyncset.done $0x0  }
0x13: {  	s10 =	simm.s32 $0x0;
	s11 =	simm.s32 $0x0;
	[sflag:s7] =	ssyncadd.s32 $0xFFFF4000  }
.LBB2_2:
0x14: {  	v0 =	vld [tilespmem:s10+$0x0];
	_ =	sdelay $0x4  }
0x15: {  	(v2sf) =	vpush v0, $0x0;
	_ =	sdelay $0xe  }
0x16: {  	s12 =	spop (v2sf)  }
0x17: {  	s13 =	sshll.u32 s12, $0xB;
	s12 =	sshll.u32 s12, $0x7  }
0x18: {  	s13 =	sand.u32 $0xFFFFC000, s13;
	s12 =	sand.u32 $0x380, s12  }
0x19: {  	s14 =	rddreg [dreg:$0x3];
	s13 =	sor.u32 s12, s13  }
0x1a: {  	s12 =	sadd.s32 s11, s14;
	s15 =	sadd.s32 $0x100, s13  }
0x1b: {  	[hbm4b:s12+s2] =	stream.linear.scatter [tilespmem:s15], [sflag:$0x1], $0x80, $0x38;
	[tilespmem:$0xC100] =	vst v63  }
0x1c: {  	s19 =	sadd.s32 $0x500, s13;
	s20 =	sadd.s32 $0x80, s12  }
0x1d: {  	[hbm4b:s20+s2] =	stream.linear.scatter [tilespmem:s19], [sflag:$0x1], $0x80, $0x38;
	[tilespmem:$0xC100] =	vst v63  }
0x1e: {  	s21 =	sadd.s32 $0x900, s13;
	s22 =	sadd.s32 $0x100, s12  }
0x1f: {  	[hbm4b:s22+s2] =	stream.linear.scatter [tilespmem:s21], [sflag:$0x1], $0x80, $0x38;
	[tilespmem:$0xC100] =	vst v63  }
0x20: {  	s23 =	sadd.s32 $0xD00, s13;
	s24 =	sadd.s32 $0x180, s12  }
0x21: {  	[hbm4b:s24+s2] =	stream.linear.scatter [tilespmem:s23], [sflag:$0x1], $0x80, $0x38;
	[tilespmem:$0xC100] =	vst v63  }
0x22: {  	s25 =	sadd.s32 $0x1100, s13;
	s26 =	sadd.s32 $0x200, s12  }
0x23: {  	[hbm4b:s26+s2] =	stream.linear.scatter [tilespmem:s25], [sflag:$0x1], $0x80, $0x38;
	[tilespmem:$0xC100] =	vst v63  }
0x24: {  	s28 =	sadd.s32 $0x1500, s13;
	s29 =	sadd.s32 $0x280, s12  }
0x25: {  	[hbm4b:s29+s2] =	stream.linear.scatter [tilespmem:s28], [sflag:$0x1], $0x80, $0x38;
	[tilespmem:$0xC100] =	vst v63  }
0x26: {  	s30 =	sadd.s32 $0x1900, s13;
	s31 =	sadd.s32 $0x300, s12  }
0x27: {  	[hbm4b:s31+s2] =	stream.linear.scatter [tilespmem:s30], [sflag:$0x1], $0x80, $0x38;
	[tilespmem:$0xC100] =	vst v63  }
0x28: {  	s16 =	sadd.s32 $0x380, s12;
	s15 =	sadd.s32 $0x1D00, s13  }
0x29: {  	(v2sf) =	vpush v0, $0x1;
	[hbm4b:s16+s2] =	stream.linear.scatter [tilespmem:s15], [sflag:$0x1], $0x80, $0x38;
	[tilespmem:$0xC100] =	vst v63  }
0x2a: {  	s17 =	sadd.s32 $0x2100, s13;
	s18 =	sadd.s32 $0x400, s12  }
0x2b: {  	[hbm4b:s18+s2] =	stream.linear.scatter [tilespmem:s17], [sflag:$0x1], $0x80, $0x38;
	[tilespmem:$0xC100] =	vst v63  }
0x2c: {  	s19 =	sadd.s32 $0x2500, s13;
	s20 =	sadd.s32 $0x480, s12  }
0x2d: {  	[hbm4b:s20+s2] =	stream.linear.scatter [tilespmem:s19], [sflag:$0x1], $0x80, $0x38;
	[tilespmem:$0xC100] =	vst v63  }
0x2e: {  	s21 =	sadd.s32 $0x2900, s13;
	s22 =	sadd.s32 $0x500, s12  }
0x2f: {  	[hbm4b:s22+s2] =	stream.linear.scatter [tilespmem:s21], [sflag:$0x1], $0x80, $0x38;
	[tilespmem:$0xC100] =	vst v63  }
0x30: {  	s23 =	sadd.s32 $0x2D00, s13;
	s24 =	sadd.s32 $0x580, s12  }
0x31: {  	[hbm4b:s24+s2] =	stream.linear.scatter [tilespmem:s23], [sflag:$0x1], $0x80, $0x38;
	[tilespmem:$0xC100] =	vst v63  }
0x32: {  	s25 =	sadd.s32 $0x3100, s13;
	s26 =	sadd.s32 $0x600, s12  }
0x33: {  	[hbm4b:s26+s2] =	stream.linear.scatter [tilespmem:s25], [sflag:$0x1], $0x80, $0x38;
	[tilespmem:$0xC100] =	vst v63  }
0x34: {  	s28 =	sadd.s32 $0x3500, s13;
	s29 =	sadd.s32 $0x680, s12  }
0x35: {  	[hbm4b:s29+s2] =	stream.linear.scatter [tilespmem:s28], [sflag:$0x1], $0x80, $0x38;
	[tilespmem:$0xC100] =	vst v63  }
0x36: {  	s30 =	sadd.s32 $0x3900, s13;
	s31 =	sadd.s32 $0x700, s12  }
0x37: {  	[hbm4b:s31+s2] =	stream.linear.scatter [tilespmem:s30], [sflag:$0x1], $0x80, $0x38;
	[tilespmem:$0xC100] =	vst v63  }
0x38: {  	s13 =	sadd.s32 $0x3D00, s13;
	s15 =	sadd.s32 $0x780, s12;
	s16 =	spop (v2sf)  }
0x39: {  	[hbm4b:s15+s2] =	stream.linear.scatter [tilespmem:s13], [sflag:$0x1], $0x80, $0x38;
	[tilespmem:$0xC100] =	vst v63  }
0x3a: {  	s17 =	sshll.u32 s16, $0xB;
	s13 =	sshll.u32 s16, $0x7  }
0x3b: {  	s14 =	sand.u32 $0xFFFFC000, s17;
	s13 =	sand.u32 $0x380, s13  }
0x3c: {  	s13 =	sor.u32 s13, s14  }
0x3d: {  	s18 =	sadd.s32 $0x10, s12;
	s14 =	sadd.s32 $0x100, s13  }
0x3e: {  	[hbm4b:s18+s2] =	stream.linear.scatter [tilespmem:s14], [sflag:$0x1], $0x80, $0x38;
	[tilespmem:$0xC100] =	vst v63  }
0x3f: {  	s20 =	sadd.s32 $0x90, s12;
	s19 =	sadd.s32 $0x500, s13  }
0x40: {  	[hbm4b:s20+s2] =	stream.linear.scatter [tilespmem:s19], [sflag:$0x1], $0x80, $0x38;
	[tilespmem:$0xC100] =	vst v63  }
0x41: {  	s22 =	sadd.s32 $0x110, s12;
	s21 =	sadd.s32 $0x900, s13  }
0x42: {  	[hbm4b:s22+s2] =	stream.linear.scatter [tilespmem:s21], [sflag:$0x1], $0x80, $0x38;
	[tilespmem:$0xC100] =	vst v63  }
0x43: {  	s24 =	sadd.s32 $0x190, s12;
	s23 =	sadd.s32 $0xD00, s13  }
0x44: {  	[hbm4b:s24+s2] =	stream.linear.scatter [tilespmem:s23], [sflag:$0x1], $0x80, $0x38;
	[tilespmem:$0xC100] =	vst v63  }
0x45: {  	s26 =	sadd.s32 $0x210, s12;
	s25 =	sadd.s32 $0x1100, s13  }
0x46: {  	[hbm4b:s26+s2] =	stream.linear.scatter [tilespmem:s25], [sflag:$0x1], $0x80, $0x38;
	[tilespmem:$0xC100] =	vst v63  }
0x47: {  	s29 =	sadd.s32 $0x290, s12;
	s28 =	sadd.s32 $0x1500, s13  }
0x48: {  	[hbm4b:s29+s2] =	stream.linear.scatter [tilespmem:s28], [sflag:$0x1], $0x80, $0x38;
	[tilespmem:$0xC100] =	vst v63  }
0x49: {  	s31 =	sadd.s32 $0x310, s12;
	s30 =	sadd.s32 $0x1900, s13  }
0x4a: {  	[hbm4b:s31+s2] =	stream.linear.scatter [tilespmem:s30], [sflag:$0x1], $0x80, $0x38;
	[tilespmem:$0xC100] =	vst v63  }
0x4b: {  	s16 =	sadd.s32 $0x390, s12;
	s15 =	sadd.s32 $0x1D00, s13  }
0x4c: {  	(v2sf) =	vpush v0, $0x2;
	[hbm4b:s16+s2] =	stream.linear.scatter [tilespmem:s15], [sflag:$0x1], $0x80, $0x38;
	[tilespmem:$0xC100] =	vst v63  }
0x4d: {  	s17 =	sadd.s32 $0x2100, s13;
	s18 =	sadd.s32 $0x410, s12  }
0x4e: {  	[hbm4b:s18+s2] =	stream.linear.scatter [tilespmem:s17], [sflag:$0x1], $0x80, $0x38;
	[tilespmem:$0xC100] =	vst v63  }
0x4f: {  	s19 =	sadd.s32 $0x2500, s13;
	s20 =	sadd.s32 $0x490, s12  }
0x50: {  	[hbm4b:s20+s2] =	stream.linear.scatter [tilespmem:s19], [sflag:$0x1], $0x80, $0x38;
	[tilespmem:$0xC100] =	vst v63  }
0x51: {  	s21 =	sadd.s32 $0x2900, s13;
	s22 =	sadd.s32 $0x510, s12  }
0x52: {  	[hbm4b:s22+s2] =	stream.linear.scatter [tilespmem:s21], [sflag:$0x1], $0x80, $0x38;
	[tilespmem:$0xC100] =	vst v63  }
0x53: {  	s23 =	sadd.s32 $0x2D00, s13;
	s24 =	sadd.s32 $0x590, s12  }
0x54: {  	[hbm4b:s24+s2] =	stream.linear.scatter [tilespmem:s23], [sflag:$0x1], $0x80, $0x38;
	[tilespmem:$0xC100] =	vst v63  }
0x55: {  	s25 =	sadd.s32 $0x3100, s13;
	s26 =	sadd.s32 $0x610, s12  }
0x56: {  	[hbm4b:s26+s2] =	stream.linear.scatter [tilespmem:s25], [sflag:$0x1], $0x80, $0x38;
	[tilespmem:$0xC100] =	vst v63  }
0x57: {  	s28 =	sadd.s32 $0x3500, s13;
	s29 =	sadd.s32 $0x690, s12  }
0x58: {  	[hbm4b:s29+s2] =	stream.linear.scatter [tilespmem:s28], [sflag:$0x1], $0x80, $0x38;
	[tilespmem:$0xC100] =	vst v63  }
0x59: {  	s30 =	sadd.s32 $0x3900, s13;
	s31 =	sadd.s32 $0x710, s12  }
0x5a: {  	[hbm4b:s31+s2] =	stream.linear.scatter [tilespmem:s30], [sflag:$0x1], $0x80, $0x38;
	[tilespmem:$0xC100] =	vst v63  }
0x5b: {  	s13 =	sadd.s32 $0x3D00, s13;
	s15 =	sadd.s32 $0x790, s12;
	s16 =	spop (v2sf)  }
0x5c: {  	[hbm4b:s15+s2] =	stream.linear.scatter [tilespmem:s13], [sflag:$0x1], $0x80, $0x38;
	[tilespmem:$0xC100] =	vst v63  }
0x5d: {  	s17 =	sshll.u32 s16, $0xB;
	s13 =	sshll.u32 s16, $0x7  }
0x5e: {  	s14 =	sand.u32 $0xFFFFC000, s17;
	s13 =	sand.u32 $0x380, s13  }
0x5f: {  	s13 =	sor.u32 s13, s14  }
0x60: {  	s18 =	sadd.s32 $0x20, s12;
	s14 =	sadd.s32 $0x100, s13  }
0x61: {  	[hbm4b:s18+s2] =	stream.linear.scatter [tilespmem:s14], [sflag:$0x1], $0x80, $0x38;
	[tilespmem:$0xC100] =	vst v63  }
0x62: {  	s20 =	sadd.s32 $0xA0, s12;
	s19 =	sadd.s32 $0x500, s13  }
0x63: {  	[hbm4b:s20+s2] =	stream.linear.scatter [tilespmem:s19], [sflag:$0x1], $0x80, $0x38;
	[tilespmem:$0xC100] =	vst v63  }
0x64: {  	s22 =	sadd.s32 $0x120, s12;
	s21 =	sadd.s32 $0x900, s13  }
0x65: {  	[hbm4b:s22+s2] =	stream.linear.scatter [tilespmem:s21], [sflag:$0x1], $0x80, $0x38;
	[tilespmem:$0xC100] =	vst v63  }
0x66: {  	s24 =	sadd.s32 $0x1A0, s12;
	s23 =	sadd.s32 $0xD00, s13  }
0x67: {  	[hbm4b:s24+s2] =	stream.linear.scatter [tilespmem:s23], [sflag:$0x1], $0x80, $0x38;
	[tilespmem:$0xC100] =	vst v63  }
0x68: {  	s26 =	sadd.s32 $0x220, s12;
	s25 =	sadd.s32 $0x1100, s13  }
0x69: {  	[hbm4b:s26+s2] =	stream.linear.scatter [tilespmem:s25], [sflag:$0x1], $0x80, $0x38;
	[tilespmem:$0xC100] =	vst v63  }
0x6a: {  	s29 =	sadd.s32 $0x2A0, s12;
	s28 =	sadd.s32 $0x1500, s13  }
0x6b: {  	[hbm4b:s29+s2] =	stream.linear.scatter [tilespmem:s28], [sflag:$0x1], $0x80, $0x38;
	[tilespmem:$0xC100] =	vst v63  }
0x6c: {  	s31 =	sadd.s32 $0x320, s12;
	s30 =	sadd.s32 $0x1900, s13  }
0x6d: {  	[hbm4b:s31+s2] =	stream.linear.scatter [tilespmem:s30], [sflag:$0x1], $0x80, $0x38;
	[tilespmem:$0xC100] =	vst v63  }
0x6e: {  	s16 =	sadd.s32 $0x3A0, s12;
	s15 =	sadd.s32 $0x1D00, s13  }
0x6f: {  	(v2sf) =	vpush v0, $0x3;
	[hbm4b:s16+s2] =	stream.linear.scatter [tilespmem:s15], [sflag:$0x1], $0x80, $0x38;
	[tilespmem:$0xC100] =	vst v63  }
0x70: {  	s17 =	sadd.s32 $0x2100, s13;
	s18 =	sadd.s32 $0x420, s12  }
0x71: {  	[hbm4b:s18+s2] =	stream.linear.scatter [tilespmem:s17], [sflag:$0x1], $0x80, $0x38;
	[tilespmem:$0xC100] =	vst v63  }
0x72: {  	s19 =	sadd.s32 $0x2500, s13;
	s20 =	sadd.s32 $0x4A0, s12  }
0x73: {  	[hbm4b:s20+s2] =	stream.linear.scatter [tilespmem:s19], [sflag:$0x1], $0x80, $0x38;
	[tilespmem:$0xC100] =	vst v63  }
0x74: {  	s21 =	sadd.s32 $0x2900, s13;
	s22 =	sadd.s32 $0x520, s12  }
0x75: {  	[hbm4b:s22+s2] =	stream.linear.scatter [tilespmem:s21], [sflag:$0x1], $0x80, $0x38;
	[tilespmem:$0xC100] =	vst v63  }
0x76: {  	s23 =	sadd.s32 $0x2D00, s13;
	s24 =	sadd.s32 $0x5A0, s12  }
0x77: {  	[hbm4b:s24+s2] =	stream.linear.scatter [tilespmem:s23], [sflag:$0x1], $0x80, $0x38;
	[tilespmem:$0xC100] =	vst v63  }
0x78: {  	s25 =	sadd.s32 $0x3100, s13;
	s26 =	sadd.s32 $0x620, s12  }
0x79: {  	[hbm4b:s26+s2] =	stream.linear.scatter [tilespmem:s25], [sflag:$0x1], $0x80, $0x38;
	[tilespmem:$0xC100] =	vst v63  }
0x7a: {  	s28 =	sadd.s32 $0x3500, s13;
	s29 =	sadd.s32 $0x6A0, s12  }
0x7b: {  	[hbm4b:s29+s2] =	stream.linear.scatter [tilespmem:s28], [sflag:$0x1], $0x80, $0x38;
	[tilespmem:$0xC100] =	vst v63  }
0x7c: {  	s30 =	sadd.s32 $0x3900, s13;
	s31 =	sadd.s32 $0x720, s12  }
0x7d: {  	[hbm4b:s31+s2] =	stream.linear.scatter [tilespmem:s30], [sflag:$0x1], $0x80, $0x38;
	[tilespmem:$0xC100] =	vst v63  }
0x7e: {  	s13 =	sadd.s32 $0x3D00, s13;
	s15 =	sadd.s32 $0x7A0, s12;
	s16 =	spop (v2sf)  }
0x7f: {  	[hbm4b:s15+s2] =	stream.linear.scatter [tilespmem:s13], [sflag:$0x1], $0x80, $0x38;
	[tilespmem:$0xC100] =	vst v63  }
0x80: {  	s17 =	sshll.u32 s16, $0xB;
	s13 =	sshll.u32 s16, $0x7  }
0x81: {  	s14 =	sand.u32 $0xFFFFC000, s17;
	s13 =	sand.u32 $0x380, s13  }
0x82: {  	s13 =	sor.u32 s13, s14  }
0x83: {  	s18 =	sadd.s32 $0x30, s12;
	s14 =	sadd.s32 $0x100, s13  }
0x84: {  	[hbm4b:s18+s2] =	stream.linear.scatter [tilespmem:s14], [sflag:$0x1], $0x80, $0x38;
	[tilespmem:$0xC100] =	vst v63  }
0x85: {  	s20 =	sadd.s32 $0xB0, s12;
	s19 =	sadd.s32 $0x500, s13  }
0x86: {  	[hbm4b:s20+s2] =	stream.linear.scatter [tilespmem:s19], [sflag:$0x1], $0x80, $0x38;
	[tilespmem:$0xC100] =	vst v63  }
0x87: {  	s22 =	sadd.s32 $0x130, s12;
	s21 =	sadd.s32 $0x900, s13  }
0x88: {  	[hbm4b:s22+s2] =	stream.linear.scatter [tilespmem:s21], [sflag:$0x1], $0x80, $0x38;
	[tilespmem:$0xC100] =	vst v63  }
0x89: {  	s24 =	sadd.s32 $0x1B0, s12;
	s23 =	sadd.s32 $0xD00, s13  }
0x8a: {  	[hbm4b:s24+s2] =	stream.linear.scatter [tilespmem:s23], [sflag:$0x1], $0x80, $0x38;
	[tilespmem:$0xC100] =	vst v63  }
0x8b: {  	s26 =	sadd.s32 $0x230, s12;
	s25 =	sadd.s32 $0x1100, s13  }
0x8c: {  	[hbm4b:s26+s2] =	stream.linear.scatter [tilespmem:s25], [sflag:$0x1], $0x80, $0x38;
	[tilespmem:$0xC100] =	vst v63  }
0x8d: {  	s29 =	sadd.s32 $0x2B0, s12;
	s28 =	sadd.s32 $0x1500, s13  }
0x8e: {  	[hbm4b:s29+s2] =	stream.linear.scatter [tilespmem:s28], [sflag:$0x1], $0x80, $0x38;
	[tilespmem:$0xC100] =	vst v63  }
0x8f: {  	s31 =	sadd.s32 $0x330, s12;
	s30 =	sadd.s32 $0x1900, s13  }
0x90: {  	[hbm4b:s31+s2] =	stream.linear.scatter [tilespmem:s30], [sflag:$0x1], $0x80, $0x38;
	[tilespmem:$0xC100] =	vst v63  }
0x91: {  	s16 =	sadd.s32 $0x3B0, s12;
	s15 =	sadd.s32 $0x1D00, s13  }
0x92: {  	(v2sf) =	vpush v0, $0x4;
	[hbm4b:s16+s2] =	stream.linear.scatter [tilespmem:s15], [sflag:$0x1], $0x80, $0x38;
	[tilespmem:$0xC100] =	vst v63  }
0x93: {  	s17 =	sadd.s32 $0x2100, s13;
	s18 =	sadd.s32 $0x430, s12  }
0x94: {  	[hbm4b:s18+s2] =	stream.linear.scatter [tilespmem:s17], [sflag:$0x1], $0x80, $0x38;
	[tilespmem:$0xC100] =	vst v63  }
0x95: {  	s19 =	sadd.s32 $0x2500, s13;
	s20 =	sadd.s32 $0x4B0, s12  }
0x96: {  	[hbm4b:s20+s2] =	stream.linear.scatter [tilespmem:s19], [sflag:$0x1], $0x80, $0x38;
	[tilespmem:$0xC100] =	vst v63  }
0x97: {  	s21 =	sadd.s32 $0x2900, s13;
	s22 =	sadd.s32 $0x530, s12  }
0x98: {  	[hbm4b:s22+s2] =	stream.linear.scatter [tilespmem:s21], [sflag:$0x1], $0x80, $0x38;
	[tilespmem:$0xC100] =	vst v63  }
0x99: {  	s23 =	sadd.s32 $0x2D00, s13;
	s24 =	sadd.s32 $0x5B0, s12  }
0x9a: {  	[hbm4b:s24+s2] =	stream.linear.scatter [tilespmem:s23], [sflag:$0x1], $0x80, $0x38;
	[tilespmem:$0xC100] =	vst v63  }
0x9b: {  	s25 =	sadd.s32 $0x3100, s13;
	s26 =	sadd.s32 $0x630, s12  }
0x9c: {  	[hbm4b:s26+s2] =	stream.linear.scatter [tilespmem:s25], [sflag:$0x1], $0x80, $0x38;
	[tilespmem:$0xC100] =	vst v63  }
0x9d: {  	s28 =	sadd.s32 $0x3500, s13;
	s29 =	sadd.s32 $0x6B0, s12  }
0x9e: {  	[hbm4b:s29+s2] =	stream.linear.scatter [tilespmem:s28], [sflag:$0x1], $0x80, $0x38;
	[tilespmem:$0xC100] =	vst v63  }
0x9f: {  	s30 =	sadd.s32 $0x3900, s13;
	s31 =	sadd.s32 $0x730, s12  }
0xa0: {  	[hbm4b:s31+s2] =	stream.linear.scatter [tilespmem:s30], [sflag:$0x1], $0x80, $0x38;
	[tilespmem:$0xC100] =	vst v63  }
0xa1: {  	s13 =	sadd.s32 $0x3D00, s13;
	s15 =	sadd.s32 $0x7B0, s12;
	s16 =	spop (v2sf)  }
0xa2: {  	[hbm4b:s15+s2] =	stream.linear.scatter [tilespmem:s13], [sflag:$0x1], $0x80, $0x38;
	[tilespmem:$0xC100] =	vst v63  }
0xa3: {  	s17 =	sshll.u32 s16, $0xB;
	s13 =	sshll.u32 s16, $0x7  }
0xa4: {  	s14 =	sand.u32 $0xFFFFC000, s17;
	s13 =	sand.u32 $0x380, s13  }
0xa5: {  	s13 =	sor.u32 s13, s14  }
0xa6: {  	s18 =	sadd.s32 $0x40, s12;
	s14 =	sadd.s32 $0x100, s13  }
0xa7: {  	[hbm4b:s18+s2] =	stream.linear.scatter [tilespmem:s14], [sflag:$0x1], $0x80, $0x38;
	[tilespmem:$0xC100] =	vst v63  }
0xa8: {  	s20 =	sadd.s32 $0xC0, s12;
	s19 =	sadd.s32 $0x500, s13  }
0xa9: {  	[hbm4b:s20+s2] =	stream.linear.scatter [tilespmem:s19], [sflag:$0x1], $0x80, $0x38;
	[tilespmem:$0xC100] =	vst v63  }
0xaa: {  	s22 =	sadd.s32 $0x140, s12;
	s21 =	sadd.s32 $0x900, s13  }
0xab: {  	[hbm4b:s22+s2] =	stream.linear.scatter [tilespmem:s21], [sflag:$0x1], $0x80, $0x38;
	[tilespmem:$0xC100] =	vst v63  }
0xac: {  	s24 =	sadd.s32 $0x1C0, s12;
	s23 =	sadd.s32 $0xD00, s13  }
0xad: {  	[hbm4b:s24+s2] =	stream.linear.scatter [tilespmem:s23], [sflag:$0x1], $0x80, $0x38;
	[tilespmem:$0xC100] =	vst v63  }
0xae: {  	s26 =	sadd.s32 $0x240, s12;
	s25 =	sadd.s32 $0x1100, s13  }
0xaf: {  	[hbm4b:s26+s2] =	stream.linear.scatter [tilespmem:s25], [sflag:$0x1], $0x80, $0x38;
	[tilespmem:$0xC100] =	vst v63  }
0xb0: {  	s29 =	sadd.s32 $0x2C0, s12;
	s28 =	sadd.s32 $0x1500, s13  }
0xb1: {  	[hbm4b:s29+s2] =	stream.linear.scatter [tilespmem:s28], [sflag:$0x1], $0x80, $0x38;
	[tilespmem:$0xC100] =	vst v63  }
0xb2: {  	s31 =	sadd.s32 $0x340, s12;
	s30 =	sadd.s32 $0x1900, s13  }
0xb3: {  	[hbm4b:s31+s2] =	stream.linear.scatter [tilespmem:s30], [sflag:$0x1], $0x80, $0x38;
	[tilespmem:$0xC100] =	vst v63  }
0xb4: {  	s16 =	sadd.s32 $0x3C0, s12;
	s15 =	sadd.s32 $0x1D00, s13  }
0xb5: {  	(v2sf) =	vpush v0, $0x5;
	[hbm4b:s16+s2] =	stream.linear.scatter [tilespmem:s15], [sflag:$0x1], $0x80, $0x38;
	[tilespmem:$0xC100] =	vst v63  }
0xb6: {  	s17 =	sadd.s32 $0x2100, s13;
	s18 =	sadd.s32 $0x440, s12  }
0xb7: {  	[hbm4b:s18+s2] =	stream.linear.scatter [tilespmem:s17], [sflag:$0x1], $0x80, $0x38;
	[tilespmem:$0xC100] =	vst v63  }
0xb8: {  	s19 =	sadd.s32 $0x2500, s13;
	s20 =	sadd.s32 $0x4C0, s12  }
0xb9: {  	[hbm4b:s20+s2] =	stream.linear.scatter [tilespmem:s19], [sflag:$0x1], $0x80, $0x38;
	[tilespmem:$0xC100] =	vst v63  }
0xba: {  	s21 =	sadd.s32 $0x2900, s13;
	s22 =	sadd.s32 $0x540, s12  }
0xbb: {  	[hbm4b:s22+s2] =	stream.linear.scatter [tilespmem:s21], [sflag:$0x1], $0x80, $0x38;
	[tilespmem:$0xC100] =	vst v63  }
0xbc: {  	s23 =	sadd.s32 $0x2D00, s13;
	s24 =	sadd.s32 $0x5C0, s12  }
0xbd: {  	[hbm4b:s24+s2] =	stream.linear.scatter [tilespmem:s23], [sflag:$0x1], $0x80, $0x38;
	[tilespmem:$0xC100] =	vst v63  }
0xbe: {  	s25 =	sadd.s32 $0x3100, s13;
	s26 =	sadd.s32 $0x640, s12  }
0xbf: {  	[hbm4b:s26+s2] =	stream.linear.scatter [tilespmem:s25], [sflag:$0x1], $0x80, $0x38;
	[tilespmem:$0xC100] =	vst v63  }
0xc0: {  	s28 =	sadd.s32 $0x3500, s13;
	s29 =	sadd.s32 $0x6C0, s12  }
0xc1: {  	[hbm4b:s29+s2] =	stream.linear.scatter [tilespmem:s28], [sflag:$0x1], $0x80, $0x38;
	[tilespmem:$0xC100] =	vst v63  }
0xc2: {  	s30 =	sadd.s32 $0x3900, s13;
	s31 =	sadd.s32 $0x740, s12  }
0xc3: {  	[hbm4b:s31+s2] =	stream.linear.scatter [tilespmem:s30], [sflag:$0x1], $0x80, $0x38;
	[tilespmem:$0xC100] =	vst v63  }
0xc4: {  	s13 =	sadd.s32 $0x3D00, s13;
	s15 =	sadd.s32 $0x7C0, s12;
	s16 =	spop (v2sf)  }
0xc5: {  	[hbm4b:s15+s2] =	stream.linear.scatter [tilespmem:s13], [sflag:$0x1], $0x80, $0x38;
	[tilespmem:$0xC100] =	vst v63  }
0xc6: {  	s17 =	sshll.u32 s16, $0xB;
	s13 =	sshll.u32 s16, $0x7  }
0xc7: {  	s14 =	sand.u32 $0xFFFFC000, s17;
	s13 =	sand.u32 $0x380, s13  }
0xc8: {  	s13 =	sor.u32 s13, s14  }
0xc9: {  	s18 =	sadd.s32 $0x50, s12;
	s14 =	sadd.s32 $0x100, s13  }
0xca: {  	[hbm4b:s18+s2] =	stream.linear.scatter [tilespmem:s14], [sflag:$0x1], $0x80, $0x38;
	[tilespmem:$0xC100] =	vst v63  }
0xcb: {  	s20 =	sadd.s32 $0xD0, s12;
	s19 =	sadd.s32 $0x500, s13  }
0xcc: {  	[hbm4b:s20+s2] =	stream.linear.scatter [tilespmem:s19], [sflag:$0x1], $0x80, $0x38;
	[tilespmem:$0xC100] =	vst v63  }
0xcd: {  	s22 =	sadd.s32 $0x150, s12;
	s21 =	sadd.s32 $0x900, s13  }
0xce: {  	[hbm4b:s22+s2] =	stream.linear.scatter [tilespmem:s21], [sflag:$0x1], $0x80, $0x38;
	[tilespmem:$0xC100] =	vst v63  }
0xcf: {  	s24 =	sadd.s32 $0x1D0, s12;
	s23 =	sadd.s32 $0xD00, s13  }
0xd0: {  	[hbm4b:s24+s2] =	stream.linear.scatter [tilespmem:s23], [sflag:$0x1], $0x80, $0x38;
	[tilespmem:$0xC100] =	vst v63  }
0xd1: {  	s26 =	sadd.s32 $0x250, s12;
	s25 =	sadd.s32 $0x1100, s13  }
0xd2: {  	[hbm4b:s26+s2] =	stream.linear.scatter [tilespmem:s25], [sflag:$0x1], $0x80, $0x38;
	[tilespmem:$0xC100] =	vst v63  }
0xd3: {  	s29 =	sadd.s32 $0x2D0, s12;
	s28 =	sadd.s32 $0x1500, s13  }
0xd4: {  	[hbm4b:s29+s2] =	stream.linear.scatter [tilespmem:s28], [sflag:$0x1], $0x80, $0x38;
	[tilespmem:$0xC100] =	vst v63  }
0xd5: {  	s31 =	sadd.s32 $0x350, s12;
	s30 =	sadd.s32 $0x1900, s13  }
0xd6: {  	[hbm4b:s31+s2] =	stream.linear.scatter [tilespmem:s30], [sflag:$0x1], $0x80, $0x38;
	[tilespmem:$0xC100] =	vst v63  }
0xd7: {  	s16 =	sadd.s32 $0x3D0, s12;
	s15 =	sadd.s32 $0x1D00, s13  }
0xd8: {  	(v2sf) =	vpush v0, $0x6;
	[hbm4b:s16+s2] =	stream.linear.scatter [tilespmem:s15], [sflag:$0x1], $0x80, $0x38;
	[tilespmem:$0xC100] =	vst v63  }
0xd9: {  	s17 =	sadd.s32 $0x2100, s13;
	s18 =	sadd.s32 $0x450, s12  }
0xda: {  	[hbm4b:s18+s2] =	stream.linear.scatter [tilespmem:s17], [sflag:$0x1], $0x80, $0x38;
	[tilespmem:$0xC100] =	vst v63  }
0xdb: {  	s19 =	sadd.s32 $0x2500, s13;
	s20 =	sadd.s32 $0x4D0, s12  }
0xdc: {  	[hbm4b:s20+s2] =	stream.linear.scatter [tilespmem:s19], [sflag:$0x1], $0x80, $0x38;
	[tilespmem:$0xC100] =	vst v63  }
0xdd: {  	s21 =	sadd.s32 $0x2900, s13;
	s22 =	sadd.s32 $0x550, s12  }
0xde: {  	[hbm4b:s22+s2] =	stream.linear.scatter [tilespmem:s21], [sflag:$0x1], $0x80, $0x38;
	[tilespmem:$0xC100] =	vst v63  }
0xdf: {  	s23 =	sadd.s32 $0x2D00, s13;
	s24 =	sadd.s32 $0x5D0, s12  }
0xe0: {  	[hbm4b:s24+s2] =	stream.linear.scatter [tilespmem:s23], [sflag:$0x1], $0x80, $0x38;
	[tilespmem:$0xC100] =	vst v63  }
0xe1: {  	s25 =	sadd.s32 $0x3100, s13;
	s26 =	sadd.s32 $0x650, s12  }
0xe2: {  	[hbm4b:s26+s2] =	stream.linear.scatter [tilespmem:s25], [sflag:$0x1], $0x80, $0x38;
	[tilespmem:$0xC100] =	vst v63  }
0xe3: {  	s28 =	sadd.s32 $0x3500, s13;
	s29 =	sadd.s32 $0x6D0, s12  }
0xe4: {  	[hbm4b:s29+s2] =	stream.linear.scatter [tilespmem:s28], [sflag:$0x1], $0x80, $0x38;
	[tilespmem:$0xC100] =	vst v63  }
0xe5: {  	s30 =	sadd.s32 $0x3900, s13;
	s31 =	sadd.s32 $0x750, s12  }
0xe6: {  	[hbm4b:s31+s2] =	stream.linear.scatter [tilespmem:s30], [sflag:$0x1], $0x80, $0x38;
	[tilespmem:$0xC100] =	vst v63  }
0xe7: {  	s13 =	sadd.s32 $0x3D00, s13;
	s15 =	sadd.s32 $0x7D0, s12;
	s16 =	spop (v2sf)  }
0xe8: {  	[hbm4b:s15+s2] =	stream.linear.scatter [tilespmem:s13], [sflag:$0x1], $0x80, $0x38;
	[tilespmem:$0xC100] =	vst v63  }
0xe9: {  	s17 =	sshll.u32 s16, $0xB;
	s13 =	sshll.u32 s16, $0x7  }
0xea: {  	s14 =	sand.u32 $0xFFFFC000, s17;
	s13 =	sand.u32 $0x380, s13  }
0xeb: {  	s13 =	sor.u32 s13, s14  }
0xec: {  	s18 =	sadd.s32 $0x60, s12;
	s14 =	sadd.s32 $0x100, s13  }
0xed: {  	[hbm4b:s18+s2] =	stream.linear.scatter [tilespmem:s14], [sflag:$0x1], $0x80, $0x38;
	[tilespmem:$0xC100] =	vst v63  }
0xee: {  	s20 =	sadd.s32 $0xE0, s12;
	s19 =	sadd.s32 $0x500, s13  }
0xef: {  	[hbm4b:s20+s2] =	stream.linear.scatter [tilespmem:s19], [sflag:$0x1], $0x80, $0x38;
	[tilespmem:$0xC100] =	vst v63  }
0xf0: {  	s22 =	sadd.s32 $0x160, s12;
	s21 =	sadd.s32 $0x900, s13  }
0xf1: {  	[hbm4b:s22+s2] =	stream.linear.scatter [tilespmem:s21], [sflag:$0x1], $0x80, $0x38;
	[tilespmem:$0xC100] =	vst v63  }
0xf2: {  	s24 =	sadd.s32 $0x1E0, s12;
	s23 =	sadd.s32 $0xD00, s13  }
0xf3: {  	[hbm4b:s24+s2] =	stream.linear.scatter [tilespmem:s23], [sflag:$0x1], $0x80, $0x38;
	[tilespmem:$0xC100] =	vst v63  }
0xf4: {  	s26 =	sadd.s32 $0x260, s12;
	s25 =	sadd.s32 $0x1100, s13  }
0xf5: {  	[hbm4b:s26+s2] =	stream.linear.scatter [tilespmem:s25], [sflag:$0x1], $0x80, $0x38;
	[tilespmem:$0xC100] =	vst v63  }
0xf6: {  	s29 =	sadd.s32 $0x2E0, s12;
	s28 =	sadd.s32 $0x1500, s13  }
0xf7: {  	[hbm4b:s29+s2] =	stream.linear.scatter [tilespmem:s28], [sflag:$0x1], $0x80, $0x38;
	[tilespmem:$0xC100] =	vst v63  }
0xf8: {  	s31 =	sadd.s32 $0x360, s12;
	s30 =	sadd.s32 $0x1900, s13  }
0xf9: {  	[hbm4b:s31+s2] =	stream.linear.scatter [tilespmem:s30], [sflag:$0x1], $0x80, $0x38;
	[tilespmem:$0xC100] =	vst v63  }
0xfa: {  	s16 =	sadd.s32 $0x3E0, s12;
	s15 =	sadd.s32 $0x1D00, s13  }
0xfb: {  	(v2sf) =	vpush v0, $0x7;
	[hbm4b:s16+s2] =	stream.linear.scatter [tilespmem:s15], [sflag:$0x1], $0x80, $0x38;
	[tilespmem:$0xC100] =	vst v63  }
0xfc: {  	s17 =	sadd.s32 $0x2100, s13;
	s18 =	sadd.s32 $0x460, s12  }
0xfd: {  	[hbm4b:s18+s2] =	stream.linear.scatter [tilespmem:s17], [sflag:$0x1], $0x80, $0x38;
	[tilespmem:$0xC100] =	vst v63  }
0xfe: {  	s19 =	sadd.s32 $0x2500, s13;
	s20 =	sadd.s32 $0x4E0, s12  }
0xff: {  	[hbm4b:s20+s2] =	stream.linear.scatter [tilespmem:s19], [sflag:$0x1], $0x80, $0x38;
	[tilespmem:$0xC100] =	vst v63  }
0x100: {  	s21 =	sadd.s32 $0x2900, s13;
	s22 =	sadd.s32 $0x560, s12  }
0x101: {  	[hbm4b:s22+s2] =	stream.linear.scatter [tilespmem:s21], [sflag:$0x1], $0x80, $0x38;
	[tilespmem:$0xC100] =	vst v63  }
0x102: {  	s23 =	sadd.s32 $0x2D00, s13;
	s24 =	sadd.s32 $0x5E0, s12  }
0x103: {  	[hbm4b:s24+s2] =	stream.linear.scatter [tilespmem:s23], [sflag:$0x1], $0x80, $0x38;
	[tilespmem:$0xC100] =	vst v63  }
0x104: {  	s25 =	sadd.s32 $0x3100, s13;
	s26 =	sadd.s32 $0x660, s12  }
0x105: {  	[hbm4b:s26+s2] =	stream.linear.scatter [tilespmem:s25], [sflag:$0x1], $0x80, $0x38;
	[tilespmem:$0xC100] =	vst v63  }
0x106: {  	s28 =	sadd.s32 $0x3500, s13;
	s29 =	sadd.s32 $0x6E0, s12  }
0x107: {  	[hbm4b:s29+s2] =	stream.linear.scatter [tilespmem:s28], [sflag:$0x1], $0x80, $0x38;
	[tilespmem:$0xC100] =	vst v63  }
0x108: {  	s30 =	sadd.s32 $0x3900, s13;
	s31 =	sadd.s32 $0x760, s12  }
0x109: {  	[hbm4b:s31+s2] =	stream.linear.scatter [tilespmem:s30], [sflag:$0x1], $0x80, $0x38;
	[tilespmem:$0xC100] =	vst v63  }
0x10a: {  	s13 =	sadd.s32 $0x3D00, s13;
	s15 =	sadd.s32 $0x7E0, s12;
	s16 =	spop (v2sf)  }
0x10b: {  	[hbm4b:s15+s2] =	stream.linear.scatter [tilespmem:s13], [sflag:$0x1], $0x80, $0x38;
	[tilespmem:$0xC100] =	vst v63  }
0x10c: {  	s17 =	sshll.u32 s16, $0xB;
	s13 =	sshll.u32 s16, $0x7  }
0x10d: {  	s14 =	sand.u32 $0xFFFFC000, s17;
	s13 =	sand.u32 $0x380, s13  }
0x10e: {  	s13 =	sor.u32 s13, s14  }
0x10f: {  	s18 =	sadd.s32 $0x70, s12;
	s14 =	sadd.s32 $0x100, s13  }
0x110: {  	[hbm4b:s18+s2] =	stream.linear.scatter [tilespmem:s14], [sflag:$0x1], $0x80, $0x38;
	[tilespmem:$0xC100] =	vst v63  }
0x111: {  	s20 =	sadd.s32 $0xF0, s12;
	s19 =	sadd.s32 $0x500, s13  }
0x112: {  	[hbm4b:s20+s2] =	stream.linear.scatter [tilespmem:s19], [sflag:$0x1], $0x80, $0x38;
	[tilespmem:$0xC100] =	vst v63  }
0x113: {  	s22 =	sadd.s32 $0x170, s12;
	s21 =	sadd.s32 $0x900, s13  }
0x114: {  	[hbm4b:s22+s2] =	stream.linear.scatter [tilespmem:s21], [sflag:$0x1], $0x80, $0x38;
	[tilespmem:$0xC100] =	vst v63  }
0x115: {  	s24 =	sadd.s32 $0x1F0, s12;
	s23 =	sadd.s32 $0xD00, s13  }
0x116: {  	[hbm4b:s24+s2] =	stream.linear.scatter [tilespmem:s23], [sflag:$0x1], $0x80, $0x38;
	[tilespmem:$0xC100] =	vst v63  }
0x117: {  	s26 =	sadd.s32 $0x270, s12;
	s25 =	sadd.s32 $0x1100, s13  }
0x118: {  	[hbm4b:s26+s2] =	stream.linear.scatter [tilespmem:s25], [sflag:$0x1], $0x80, $0x38;
	[tilespmem:$0xC100] =	vst v63  }
0x119: {  	s29 =	sadd.s32 $0x2F0, s12;
	s28 =	sadd.s32 $0x1500, s13  }
0x11a: {  	[hbm4b:s29+s2] =	stream.linear.scatter [tilespmem:s28], [sflag:$0x1], $0x80, $0x38;
	[tilespmem:$0xC100] =	vst v63  }
0x11b: {  	s31 =	sadd.s32 $0x370, s12;
	s30 =	sadd.s32 $0x1900, s13  }
0x11c: {  	[hbm4b:s31+s2] =	stream.linear.scatter [tilespmem:s30], [sflag:$0x1], $0x80, $0x38;
	[tilespmem:$0xC100] =	vst v63  }
0x11d: {  	s16 =	sadd.s32 $0x3F0, s12;
	s15 =	sadd.s32 $0x1D00, s13  }
0x11e: {  	(v2sf) =	vpush v0, $0x8;
	[hbm4b:s16+s2] =	stream.linear.scatter [tilespmem:s15], [sflag:$0x1], $0x80, $0x38;
	[tilespmem:$0xC100] =	vst v63  }
0x11f: {  	s17 =	sadd.s32 $0x2100, s13;
	s18 =	sadd.s32 $0x470, s12  }
0x120: {  	[hbm4b:s18+s2] =	stream.linear.scatter [tilespmem:s17], [sflag:$0x1], $0x80, $0x38;
	[tilespmem:$0xC100] =	vst v63  }
0x121: {  	s19 =	sadd.s32 $0x2500, s13;
	s20 =	sadd.s32 $0x4F0, s12  }
0x122: {  	[hbm4b:s20+s2] =	stream.linear.scatter [tilespmem:s19], [sflag:$0x1], $0x80, $0x38;
	[tilespmem:$0xC100] =	vst v63  }
0x123: {  	s21 =	sadd.s32 $0x2900, s13;
	s22 =	sadd.s32 $0x570, s12  }
0x124: {  	[hbm4b:s22+s2] =	stream.linear.scatter [tilespmem:s21], [sflag:$0x1], $0x80, $0x38;
	[tilespmem:$0xC100] =	vst v63  }
0x125: {  	s23 =	sadd.s32 $0x2D00, s13;
	s24 =	sadd.s32 $0x5F0, s12  }
0x126: {  	[hbm4b:s24+s2] =	stream.linear.scatter [tilespmem:s23], [sflag:$0x1], $0x80, $0x38;
	[tilespmem:$0xC100] =	vst v63  }
0x127: {  	s25 =	sadd.s32 $0x3100, s13;
	s26 =	sadd.s32 $0x670, s12  }
0x128: {  	[hbm4b:s26+s2] =	stream.linear.scatter [tilespmem:s25], [sflag:$0x1], $0x80, $0x38;
	[tilespmem:$0xC100] =	vst v63  }
0x129: {  	s28 =	sadd.s32 $0x3500, s13;
	s29 =	sadd.s32 $0x6F0, s12  }
0x12a: {  	[hbm4b:s29+s2] =	stream.linear.scatter [tilespmem:s28], [sflag:$0x1], $0x80, $0x38;
	[tilespmem:$0xC100] =	vst v63  }
0x12b: {  	s30 =	sadd.s32 $0x3900, s13;
	s31 =	sadd.s32 $0x770, s12  }
0x12c: {  	[hbm4b:s31+s2] =	stream.linear.scatter [tilespmem:s30], [sflag:$0x1], $0x80, $0x38;
	[tilespmem:$0xC100] =	vst v63  }
0x12d: {  	s13 =	sadd.s32 $0x3D00, s13;
	s15 =	sadd.s32 $0x7F0, s12;
	s16 =	spop (v2sf)  }
0x12e: {  	[hbm4b:s15+s2] =	stream.linear.scatter [tilespmem:s13], [sflag:$0x1], $0x80, $0x38;
	[tilespmem:$0xC100] =	vst v63  }
0x12f: {  	s17 =	sshll.u32 s16, $0xB;
	s13 =	sshll.u32 s16, $0x7  }
0x130: {  	s14 =	sand.u32 $0xFFFFC000, s17;
	s13 =	sand.u32 $0x380, s13  }
0x131: {  	s13 =	sor.u32 s13, s14  }
0x132: {  	s18 =	sadd.s32 $0x800, s12;
	s14 =	sadd.s32 $0x100, s13  }
0x133: {  	[hbm4b:s18+s2] =	stream.linear.scatter [tilespmem:s14], [sflag:$0x1], $0x80, $0x38;
	[tilespmem:$0xC100] =	vst v63  }
0x134: {  	s20 =	sadd.s32 $0x880, s12;
	s19 =	sadd.s32 $0x500, s13  }
0x135: {  	[hbm4b:s20+s2] =	stream.linear.scatter [tilespmem:s19], [sflag:$0x1], $0x80, $0x38;
	[tilespmem:$0xC100] =	vst v63  }
0x136: {  	s22 =	sadd.s32 $0x900, s12;
	s21 =	sadd.s32 $0x900, s13  }
0x137: {  	[hbm4b:s22+s2] =	stream.linear.scatter [tilespmem:s21], [sflag:$0x1], $0x80, $0x38;
	[tilespmem:$0xC100] =	vst v63  }
0x138: {  	s24 =	sadd.s32 $0x980, s12;
	s23 =	sadd.s32 $0xD00, s13  }
0x139: {  	[hbm4b:s24+s2] =	stream.linear.scatter [tilespmem:s23], [sflag:$0x1], $0x80, $0x38;
	[tilespmem:$0xC100] =	vst v63  }
0x13a: {  	s26 =	sadd.s32 $0xA00, s12;
	s25 =	sadd.s32 $0x1100, s13  }
0x13b: {  	[hbm4b:s26+s2] =	stream.linear.scatter [tilespmem:s25], [sflag:$0x1], $0x80, $0x38;
	[tilespmem:$0xC100] =	vst v63  }
0x13c: {  	s29 =	sadd.s32 $0xA80, s12;
	s28 =	sadd.s32 $0x1500, s13  }
0x13d: {  	[hbm4b:s29+s2] =	stream.linear.scatter [tilespmem:s28], [sflag:$0x1], $0x80, $0x38;
	[tilespmem:$0xC100] =	vst v63  }
0x13e: {  	s31 =	sadd.s32 $0xB00, s12;
	s30 =	sadd.s32 $0x1900, s13  }
0x13f: {  	[hbm4b:s31+s2] =	stream.linear.scatter [tilespmem:s30], [sflag:$0x1], $0x80, $0x38;
	[tilespmem:$0xC100] =	vst v63  }
0x140: {  	s16 =	sadd.s32 $0xB80, s12;
	s15 =	sadd.s32 $0x1D00, s13  }
0x141: {  	(v2sf) =	vpush v0, $0x9;
	[hbm4b:s16+s2] =	stream.linear.scatter [tilespmem:s15], [sflag:$0x1], $0x80, $0x38;
	[tilespmem:$0xC100] =	vst v63  }
0x142: {  	s17 =	sadd.s32 $0x2100, s13;
	s18 =	sadd.s32 $0xC00, s12  }
0x143: {  	[hbm4b:s18+s2] =	stream.linear.scatter [tilespmem:s17], [sflag:$0x1], $0x80, $0x38;
	[tilespmem:$0xC100] =	vst v63  }
0x144: {  	s19 =	sadd.s32 $0x2500, s13;
	s20 =	sadd.s32 $0xC80, s12  }
0x145: {  	[hbm4b:s20+s2] =	stream.linear.scatter [tilespmem:s19], [sflag:$0x1], $0x80, $0x38;
	[tilespmem:$0xC100] =	vst v63  }
0x146: {  	s21 =	sadd.s32 $0x2900, s13;
	s22 =	sadd.s32 $0xD00, s12  }
0x147: {  	[hbm4b:s22+s2] =	stream.linear.scatter [tilespmem:s21], [sflag:$0x1], $0x80, $0x38;
	[tilespmem:$0xC100] =	vst v63  }
0x148: {  	s23 =	sadd.s32 $0x2D00, s13;
	s24 =	sadd.s32 $0xD80, s12  }
0x149: {  	[hbm4b:s24+s2] =	stream.linear.scatter [tilespmem:s23], [sflag:$0x1], $0x80, $0x38;
	[tilespmem:$0xC100] =	vst v63  }
0x14a: {  	s25 =	sadd.s32 $0x3100, s13;
	s26 =	sadd.s32 $0xE00, s12  }
0x14b: {  	[hbm4b:s26+s2] =	stream.linear.scatter [tilespmem:s25], [sflag:$0x1], $0x80, $0x38;
	[tilespmem:$0xC100] =	vst v63  }
0x14c: {  	s28 =	sadd.s32 $0x3500, s13;
	s29 =	sadd.s32 $0xE80, s12  }
0x14d: {  	[hbm4b:s29+s2] =	stream.linear.scatter [tilespmem:s28], [sflag:$0x1], $0x80, $0x38;
	[tilespmem:$0xC100] =	vst v63  }
0x14e: {  	s30 =	sadd.s32 $0x3900, s13;
	s31 =	sadd.s32 $0xF00, s12  }
0x14f: {  	[hbm4b:s31+s2] =	stream.linear.scatter [tilespmem:s30], [sflag:$0x1], $0x80, $0x38;
	[tilespmem:$0xC100] =	vst v63  }
0x150: {  	s13 =	sadd.s32 $0x3D00, s13;
	s15 =	sadd.s32 $0xF80, s12;
	s16 =	spop (v2sf)  }
0x151: {  	[hbm4b:s15+s2] =	stream.linear.scatter [tilespmem:s13], [sflag:$0x1], $0x80, $0x38;
	[tilespmem:$0xC100] =	vst v63  }
0x152: {  	s17 =	sshll.u32 s16, $0xB;
	s13 =	sshll.u32 s16, $0x7  }
0x153: {  	s14 =	sand.u32 $0xFFFFC000, s17;
	s13 =	sand.u32 $0x380, s13  }
0x154: {  	s13 =	sor.u32 s13, s14  }
0x155: {  	s18 =	sadd.s32 $0x810, s12;
	s14 =	sadd.s32 $0x100, s13  }
0x156: {  	[hbm4b:s18+s2] =	stream.linear.scatter [tilespmem:s14], [sflag:$0x1], $0x80, $0x38;
	[tilespmem:$0xC100] =	vst v63  }
0x157: {  	s20 =	sadd.s32 $0x890, s12;
	s19 =	sadd.s32 $0x500, s13  }
0x158: {  	[hbm4b:s20+s2] =	stream.linear.scatter [tilespmem:s19], [sflag:$0x1], $0x80, $0x38;
	[tilespmem:$0xC100] =	vst v63  }
0x159: {  	s22 =	sadd.s32 $0x910, s12;
	s21 =	sadd.s32 $0x900, s13  }
0x15a: {  	[hbm4b:s22+s2] =	stream.linear.scatter [tilespmem:s21], [sflag:$0x1], $0x80, $0x38;
	[tilespmem:$0xC100] =	vst v63  }
0x15b: {  	s24 =	sadd.s32 $0x990, s12;
	s23 =	sadd.s32 $0xD00, s13  }
0x15c: {  	[hbm4b:s24+s2] =	stream.linear.scatter [tilespmem:s23], [sflag:$0x1], $0x80, $0x38;
	[tilespmem:$0xC100] =	vst v63  }
0x15d: {  	s26 =	sadd.s32 $0xA10, s12;
	s25 =	sadd.s32 $0x1100, s13  }
0x15e: {  	[hbm4b:s26+s2] =	stream.linear.scatter [tilespmem:s25], [sflag:$0x1], $0x80, $0x38;
	[tilespmem:$0xC100] =	vst v63  }
0x15f: {  	s29 =	sadd.s32 $0xA90, s12;
	s28 =	sadd.s32 $0x1500, s13  }
0x160: {  	[hbm4b:s29+s2] =	stream.linear.scatter [tilespmem:s28], [sflag:$0x1], $0x80, $0x38;
	[tilespmem:$0xC100] =	vst v63  }
0x161: {  	s31 =	sadd.s32 $0xB10, s12;
	s30 =	sadd.s32 $0x1900, s13  }
0x162: {  	[hbm4b:s31+s2] =	stream.linear.scatter [tilespmem:s30], [sflag:$0x1], $0x80, $0x38;
	[tilespmem:$0xC100] =	vst v63  }
0x163: {  	s16 =	sadd.s32 $0xB90, s12;
	s15 =	sadd.s32 $0x1D00, s13  }
0x164: {  	(v2sf) =	vpush v0, $0xA;
	[hbm4b:s16+s2] =	stream.linear.scatter [tilespmem:s15], [sflag:$0x1], $0x80, $0x38;
	[tilespmem:$0xC100] =	vst v63  }
0x165: {  	s17 =	sadd.s32 $0x2100, s13;
	s18 =	sadd.s32 $0xC10, s12  }
0x166: {  	[hbm4b:s18+s2] =	stream.linear.scatter [tilespmem:s17], [sflag:$0x1], $0x80, $0x38;
	[tilespmem:$0xC100] =	vst v63  }
0x167: {  	s19 =	sadd.s32 $0x2500, s13;
	s20 =	sadd.s32 $0xC90, s12  }
0x168: {  	[hbm4b:s20+s2] =	stream.linear.scatter [tilespmem:s19], [sflag:$0x1], $0x80, $0x38;
	[tilespmem:$0xC100] =	vst v63  }
0x169: {  	s21 =	sadd.s32 $0x2900, s13;
	s22 =	sadd.s32 $0xD10, s12  }
0x16a: {  	[hbm4b:s22+s2] =	stream.linear.scatter [tilespmem:s21], [sflag:$0x1], $0x80, $0x38;
	[tilespmem:$0xC100] =	vst v63  }
0x16b: {  	s23 =	sadd.s32 $0x2D00, s13;
	s24 =	sadd.s32 $0xD90, s12  }
0x16c: {  	[hbm4b:s24+s2] =	stream.linear.scatter [tilespmem:s23], [sflag:$0x1], $0x80, $0x38;
	[tilespmem:$0xC100] =	vst v63  }
0x16d: {  	s25 =	sadd.s32 $0x3100, s13;
	s26 =	sadd.s32 $0xE10, s12  }
0x16e: {  	[hbm4b:s26+s2] =	stream.linear.scatter [tilespmem:s25], [sflag:$0x1], $0x80, $0x38;
	[tilespmem:$0xC100] =	vst v63  }
0x16f: {  	s28 =	sadd.s32 $0x3500, s13;
	s29 =	sadd.s32 $0xE90, s12  }
0x170: {  	[hbm4b:s29+s2] =	stream.linear.scatter [tilespmem:s28], [sflag:$0x1], $0x80, $0x38;
	[tilespmem:$0xC100] =	vst v63  }
0x171: {  	s30 =	sadd.s32 $0x3900, s13;
	s31 =	sadd.s32 $0xF10, s12  }
0x172: {  	[hbm4b:s31+s2] =	stream.linear.scatter [tilespmem:s30], [sflag:$0x1], $0x80, $0x38;
	[tilespmem:$0xC100] =	vst v63  }
0x173: {  	s13 =	sadd.s32 $0x3D00, s13;
	s15 =	sadd.s32 $0xF90, s12;
	s16 =	spop (v2sf)  }
0x174: {  	[hbm4b:s15+s2] =	stream.linear.scatter [tilespmem:s13], [sflag:$0x1], $0x80, $0x38;
	[tilespmem:$0xC100] =	vst v63  }
0x175: {  	s17 =	sshll.u32 s16, $0xB;
	s13 =	sshll.u32 s16, $0x7  }
0x176: {  	s14 =	sand.u32 $0xFFFFC000, s17;
	s13 =	sand.u32 $0x380, s13  }
0x177: {  	s13 =	sor.u32 s13, s14  }
0x178: {  	s18 =	sadd.s32 $0x820, s12;
	s14 =	sadd.s32 $0x100, s13  }
0x179: {  	[hbm4b:s18+s2] =	stream.linear.scatter [tilespmem:s14], [sflag:$0x1], $0x80, $0x38;
	[tilespmem:$0xC100] =	vst v63  }
0x17a: {  	s20 =	sadd.s32 $0x8A0, s12;
	s19 =	sadd.s32 $0x500, s13  }
0x17b: {  	[hbm4b:s20+s2] =	stream.linear.scatter [tilespmem:s19], [sflag:$0x1], $0x80, $0x38;
	[tilespmem:$0xC100] =	vst v63  }
0x17c: {  	s22 =	sadd.s32 $0x920, s12;
	s21 =	sadd.s32 $0x900, s13  }
0x17d: {  	[hbm4b:s22+s2] =	stream.linear.scatter [tilespmem:s21], [sflag:$0x1], $0x80, $0x38;
	[tilespmem:$0xC100] =	vst v63  }
0x17e: {  	s24 =	sadd.s32 $0x9A0, s12;
	s23 =	sadd.s32 $0xD00, s13  }
0x17f: {  	[hbm4b:s24+s2] =	stream.linear.scatter [tilespmem:s23], [sflag:$0x1], $0x80, $0x38;
	[tilespmem:$0xC100] =	vst v63  }
0x180: {  	s26 =	sadd.s32 $0xA20, s12;
	s25 =	sadd.s32 $0x1100, s13  }
0x181: {  	[hbm4b:s26+s2] =	stream.linear.scatter [tilespmem:s25], [sflag:$0x1], $0x80, $0x38;
	[tilespmem:$0xC100] =	vst v63  }
0x182: {  	s29 =	sadd.s32 $0xAA0, s12;
	s28 =	sadd.s32 $0x1500, s13  }
0x183: {  	[hbm4b:s29+s2] =	stream.linear.scatter [tilespmem:s28], [sflag:$0x1], $0x80, $0x38;
	[tilespmem:$0xC100] =	vst v63  }
0x184: {  	s31 =	sadd.s32 $0xB20, s12;
	s30 =	sadd.s32 $0x1900, s13  }
0x185: {  	[hbm4b:s31+s2] =	stream.linear.scatter [tilespmem:s30], [sflag:$0x1], $0x80, $0x38;
	[tilespmem:$0xC100] =	vst v63  }
0x186: {  	s16 =	sadd.s32 $0xBA0, s12;
	s15 =	sadd.s32 $0x1D00, s13  }
0x187: {  	(v2sf) =	vpush v0, $0xB;
	[hbm4b:s16+s2] =	stream.linear.scatter [tilespmem:s15], [sflag:$0x1], $0x80, $0x38;
	[tilespmem:$0xC100] =	vst v63  }
0x188: {  	s17 =	sadd.s32 $0x2100, s13;
	s18 =	sadd.s32 $0xC20, s12  }
0x189: {  	[hbm4b:s18+s2] =	stream.linear.scatter [tilespmem:s17], [sflag:$0x1], $0x80, $0x38;
	[tilespmem:$0xC100] =	vst v63  }
0x18a: {  	s19 =	sadd.s32 $0x2500, s13;
	s20 =	sadd.s32 $0xCA0, s12  }
0x18b: {  	[hbm4b:s20+s2] =	stream.linear.scatter [tilespmem:s19], [sflag:$0x1], $0x80, $0x38;
	[tilespmem:$0xC100] =	vst v63  }
0x18c: {  	s21 =	sadd.s32 $0x2900, s13;
	s22 =	sadd.s32 $0xD20, s12  }
0x18d: {  	[hbm4b:s22+s2] =	stream.linear.scatter [tilespmem:s21], [sflag:$0x1], $0x80, $0x38;
	[tilespmem:$0xC100] =	vst v63  }
0x18e: {  	s23 =	sadd.s32 $0x2D00, s13;
	s24 =	sadd.s32 $0xDA0, s12  }
0x18f: {  	[hbm4b:s24+s2] =	stream.linear.scatter [tilespmem:s23], [sflag:$0x1], $0x80, $0x38;
	[tilespmem:$0xC100] =	vst v63  }
0x190: {  	s25 =	sadd.s32 $0x3100, s13;
	s26 =	sadd.s32 $0xE20, s12  }
0x191: {  	[hbm4b:s26+s2] =	stream.linear.scatter [tilespmem:s25], [sflag:$0x1], $0x80, $0x38;
	[tilespmem:$0xC100] =	vst v63  }
0x192: {  	s28 =	sadd.s32 $0x3500, s13;
	s29 =	sadd.s32 $0xEA0, s12  }
0x193: {  	[hbm4b:s29+s2] =	stream.linear.scatter [tilespmem:s28], [sflag:$0x1], $0x80, $0x38;
	[tilespmem:$0xC100] =	vst v63  }
0x194: {  	s30 =	sadd.s32 $0x3900, s13;
	s31 =	sadd.s32 $0xF20, s12  }
0x195: {  	[hbm4b:s31+s2] =	stream.linear.scatter [tilespmem:s30], [sflag:$0x1], $0x80, $0x38;
	[tilespmem:$0xC100] =	vst v63  }
0x196: {  	s13 =	sadd.s32 $0x3D00, s13;
	s15 =	sadd.s32 $0xFA0, s12;
	s16 =	spop (v2sf)  }
0x197: {  	[hbm4b:s15+s2] =	stream.linear.scatter [tilespmem:s13], [sflag:$0x1], $0x80, $0x38;
	[tilespmem:$0xC100] =	vst v63  }
0x198: {  	s17 =	sshll.u32 s16, $0xB;
	s13 =	sshll.u32 s16, $0x7  }
0x199: {  	s14 =	sand.u32 $0xFFFFC000, s17;
	s13 =	sand.u32 $0x380, s13  }
0x19a: {  	s13 =	sor.u32 s13, s14  }
0x19b: {  	s18 =	sadd.s32 $0x830, s12;
	s14 =	sadd.s32 $0x100, s13  }
0x19c: {  	[hbm4b:s18+s2] =	stream.linear.scatter [tilespmem:s14], [sflag:$0x1], $0x80, $0x38;
	[tilespmem:$0xC100] =	vst v63  }
0x19d: {  	s20 =	sadd.s32 $0x8B0, s12;
	s19 =	sadd.s32 $0x500, s13  }
0x19e: {  	[hbm4b:s20+s2] =	stream.linear.scatter [tilespmem:s19], [sflag:$0x1], $0x80, $0x38;
	[tilespmem:$0xC100] =	vst v63  }
0x19f: {  	s22 =	sadd.s32 $0x930, s12;
	s21 =	sadd.s32 $0x900, s13  }
0x1a0: {  	[hbm4b:s22+s2] =	stream.linear.scatter [tilespmem:s21], [sflag:$0x1], $0x80, $0x38;
	[tilespmem:$0xC100] =	vst v63  }
0x1a1: {  	s24 =	sadd.s32 $0x9B0, s12;
	s23 =	sadd.s32 $0xD00, s13  }
0x1a2: {  	[hbm4b:s24+s2] =	stream.linear.scatter [tilespmem:s23], [sflag:$0x1], $0x80, $0x38;
	[tilespmem:$0xC100] =	vst v63  }
0x1a3: {  	s26 =	sadd.s32 $0xA30, s12;
	s25 =	sadd.s32 $0x1100, s13  }
0x1a4: {  	[hbm4b:s26+s2] =	stream.linear.scatter [tilespmem:s25], [sflag:$0x1], $0x80, $0x38;
	[tilespmem:$0xC100] =	vst v63  }
0x1a5: {  	s29 =	sadd.s32 $0xAB0, s12;
	s28 =	sadd.s32 $0x1500, s13  }
0x1a6: {  	[hbm4b:s29+s2] =	stream.linear.scatter [tilespmem:s28], [sflag:$0x1], $0x80, $0x38;
	[tilespmem:$0xC100] =	vst v63  }
0x1a7: {  	s31 =	sadd.s32 $0xB30, s12;
	s30 =	sadd.s32 $0x1900, s13  }
0x1a8: {  	[hbm4b:s31+s2] =	stream.linear.scatter [tilespmem:s30], [sflag:$0x1], $0x80, $0x38;
	[tilespmem:$0xC100] =	vst v63  }
0x1a9: {  	s16 =	sadd.s32 $0xBB0, s12;
	s15 =	sadd.s32 $0x1D00, s13  }
0x1aa: {  	(v2sf) =	vpush v0, $0xC;
	[hbm4b:s16+s2] =	stream.linear.scatter [tilespmem:s15], [sflag:$0x1], $0x80, $0x38;
	[tilespmem:$0xC100] =	vst v63  }
0x1ab: {  	s17 =	sadd.s32 $0x2100, s13;
	s18 =	sadd.s32 $0xC30, s12  }
0x1ac: {  	[hbm4b:s18+s2] =	stream.linear.scatter [tilespmem:s17], [sflag:$0x1], $0x80, $0x38;
	[tilespmem:$0xC100] =	vst v63  }
0x1ad: {  	s19 =	sadd.s32 $0x2500, s13;
	s20 =	sadd.s32 $0xCB0, s12  }
0x1ae: {  	[hbm4b:s20+s2] =	stream.linear.scatter [tilespmem:s19], [sflag:$0x1], $0x80, $0x38;
	[tilespmem:$0xC100] =	vst v63  }
0x1af: {  	s21 =	sadd.s32 $0x2900, s13;
	s22 =	sadd.s32 $0xD30, s12  }
0x1b0: {  	[hbm4b:s22+s2] =	stream.linear.scatter [tilespmem:s21], [sflag:$0x1], $0x80, $0x38;
	[tilespmem:$0xC100] =	vst v63  }
0x1b1: {  	s23 =	sadd.s32 $0x2D00, s13;
	s24 =	sadd.s32 $0xDB0, s12  }
0x1b2: {  	[hbm4b:s24+s2] =	stream.linear.scatter [tilespmem:s23], [sflag:$0x1], $0x80, $0x38;
	[tilespmem:$0xC100] =	vst v63  }
0x1b3: {  	s25 =	sadd.s32 $0x3100, s13;
	s26 =	sadd.s32 $0xE30, s12  }
0x1b4: {  	[hbm4b:s26+s2] =	stream.linear.scatter [tilespmem:s25], [sflag:$0x1], $0x80, $0x38;
	[tilespmem:$0xC100] =	vst v63  }
0x1b5: {  	s28 =	sadd.s32 $0x3500, s13;
	s29 =	sadd.s32 $0xEB0, s12  }
0x1b6: {  	[hbm4b:s29+s2] =	stream.linear.scatter [tilespmem:s28], [sflag:$0x1], $0x80, $0x38;
	[tilespmem:$0xC100] =	vst v63  }
0x1b7: {  	s30 =	sadd.s32 $0x3900, s13;
	s31 =	sadd.s32 $0xF30, s12  }
0x1b8: {  	[hbm4b:s31+s2] =	stream.linear.scatter [tilespmem:s30], [sflag:$0x1], $0x80, $0x38;
	[tilespmem:$0xC100] =	vst v63  }
0x1b9: {  	s13 =	sadd.s32 $0x3D00, s13;
	s15 =	sadd.s32 $0xFB0, s12;
	s16 =	spop (v2sf)  }
0x1ba: {  	[hbm4b:s15+s2] =	stream.linear.scatter [tilespmem:s13], [sflag:$0x1], $0x80, $0x38;
	[tilespmem:$0xC100] =	vst v63  }
0x1bb: {  	s17 =	sshll.u32 s16, $0xB;
	s13 =	sshll.u32 s16, $0x7  }
0x1bc: {  	s14 =	sand.u32 $0xFFFFC000, s17;
	s13 =	sand.u32 $0x380, s13  }
0x1bd: {  	s13 =	sor.u32 s13, s14  }
0x1be: {  	s18 =	sadd.s32 $0x840, s12;
	s14 =	sadd.s32 $0x100, s13  }
0x1bf: {  	[hbm4b:s18+s2] =	stream.linear.scatter [tilespmem:s14], [sflag:$0x1], $0x80, $0x38;
	[tilespmem:$0xC100] =	vst v63  }
0x1c0: {  	s20 =	sadd.s32 $0x8C0, s12;
	s19 =	sadd.s32 $0x500, s13  }
0x1c1: {  	[hbm4b:s20+s2] =	stream.linear.scatter [tilespmem:s19], [sflag:$0x1], $0x80, $0x38;
	[tilespmem:$0xC100] =	vst v63  }
0x1c2: {  	s22 =	sadd.s32 $0x940, s12;
	s21 =	sadd.s32 $0x900, s13  }
0x1c3: {  	[hbm4b:s22+s2] =	stream.linear.scatter [tilespmem:s21], [sflag:$0x1], $0x80, $0x38;
	[tilespmem:$0xC100] =	vst v63  }
0x1c4: {  	s24 =	sadd.s32 $0x9C0, s12;
	s23 =	sadd.s32 $0xD00, s13  }
0x1c5: {  	[hbm4b:s24+s2] =	stream.linear.scatter [tilespmem:s23], [sflag:$0x1], $0x80, $0x38;
	[tilespmem:$0xC100] =	vst v63  }
0x1c6: {  	s26 =	sadd.s32 $0xA40, s12;
	s25 =	sadd.s32 $0x1100, s13  }
0x1c7: {  	[hbm4b:s26+s2] =	stream.linear.scatter [tilespmem:s25], [sflag:$0x1], $0x80, $0x38;
	[tilespmem:$0xC100] =	vst v63  }
0x1c8: {  	s29 =	sadd.s32 $0xAC0, s12;
	s28 =	sadd.s32 $0x1500, s13  }
0x1c9: {  	[hbm4b:s29+s2] =	stream.linear.scatter [tilespmem:s28], [sflag:$0x1], $0x80, $0x38;
	[tilespmem:$0xC100] =	vst v63  }
0x1ca: {  	s31 =	sadd.s32 $0xB40, s12;
	s30 =	sadd.s32 $0x1900, s13  }
0x1cb: {  	[hbm4b:s31+s2] =	stream.linear.scatter [tilespmem:s30], [sflag:$0x1], $0x80, $0x38;
	[tilespmem:$0xC100] =	vst v63  }
0x1cc: {  	s16 =	sadd.s32 $0xBC0, s12;
	s15 =	sadd.s32 $0x1D00, s13  }
0x1cd: {  	(v2sf) =	vpush v0, $0xD;
	[hbm4b:s16+s2] =	stream.linear.scatter [tilespmem:s15], [sflag:$0x1], $0x80, $0x38;
	[tilespmem:$0xC100] =	vst v63  }
0x1ce: {  	s17 =	sadd.s32 $0x2100, s13;
	s18 =	sadd.s32 $0xC40, s12  }
0x1cf: {  	[hbm4b:s18+s2] =	stream.linear.scatter [tilespmem:s17], [sflag:$0x1], $0x80, $0x38;
	[tilespmem:$0xC100] =	vst v63  }
0x1d0: {  	s19 =	sadd.s32 $0x2500, s13;
	s20 =	sadd.s32 $0xCC0, s12  }
0x1d1: {  	[hbm4b:s20+s2] =	stream.linear.scatter [tilespmem:s19], [sflag:$0x1], $0x80, $0x38;
	[tilespmem:$0xC100] =	vst v63  }
0x1d2: {  	s21 =	sadd.s32 $0x2900, s13;
	s22 =	sadd.s32 $0xD40, s12  }
0x1d3: {  	[hbm4b:s22+s2] =	stream.linear.scatter [tilespmem:s21], [sflag:$0x1], $0x80, $0x38;
	[tilespmem:$0xC100] =	vst v63  }
0x1d4: {  	s23 =	sadd.s32 $0x2D00, s13;
	s24 =	sadd.s32 $0xDC0, s12  }
0x1d5: {  	[hbm4b:s24+s2] =	stream.linear.scatter [tilespmem:s23], [sflag:$0x1], $0x80, $0x38;
	[tilespmem:$0xC100] =	vst v63  }
0x1d6: {  	s25 =	sadd.s32 $0x3100, s13;
	s26 =	sadd.s32 $0xE40, s12  }
0x1d7: {  	[hbm4b:s26+s2] =	stream.linear.scatter [tilespmem:s25], [sflag:$0x1], $0x80, $0x38;
	[tilespmem:$0xC100] =	vst v63  }
0x1d8: {  	s28 =	sadd.s32 $0x3500, s13;
	s29 =	sadd.s32 $0xEC0, s12  }
0x1d9: {  	[hbm4b:s29+s2] =	stream.linear.scatter [tilespmem:s28], [sflag:$0x1], $0x80, $0x38;
	[tilespmem:$0xC100] =	vst v63  }
0x1da: {  	s30 =	sadd.s32 $0x3900, s13;
	s31 =	sadd.s32 $0xF40, s12  }
0x1db: {  	[hbm4b:s31+s2] =	stream.linear.scatter [tilespmem:s30], [sflag:$0x1], $0x80, $0x38;
	[tilespmem:$0xC100] =	vst v63  }
0x1dc: {  	s13 =	sadd.s32 $0x3D00, s13;
	s15 =	sadd.s32 $0xFC0, s12;
	s16 =	spop (v2sf)  }
0x1dd: {  	[hbm4b:s15+s2] =	stream.linear.scatter [tilespmem:s13], [sflag:$0x1], $0x80, $0x38;
	[tilespmem:$0xC100] =	vst v63  }
0x1de: {  	s17 =	sshll.u32 s16, $0xB;
	s13 =	sshll.u32 s16, $0x7  }
0x1df: {  	s14 =	sand.u32 $0xFFFFC000, s17;
	s13 =	sand.u32 $0x380, s13  }
0x1e0: {  	s13 =	sor.u32 s13, s14  }
0x1e1: {  	s18 =	sadd.s32 $0x850, s12;
	s14 =	sadd.s32 $0x100, s13  }
0x1e2: {  	[hbm4b:s18+s2] =	stream.linear.scatter [tilespmem:s14], [sflag:$0x1], $0x80, $0x38;
	[tilespmem:$0xC100] =	vst v63  }
0x1e3: {  	s20 =	sadd.s32 $0x8D0, s12;
	s19 =	sadd.s32 $0x500, s13  }
0x1e4: {  	[hbm4b:s20+s2] =	stream.linear.scatter [tilespmem:s19], [sflag:$0x1], $0x80, $0x38;
	[tilespmem:$0xC100] =	vst v63  }
0x1e5: {  	s22 =	sadd.s32 $0x950, s12;
	s21 =	sadd.s32 $0x900, s13  }
0x1e6: {  	[hbm4b:s22+s2] =	stream.linear.scatter [tilespmem:s21], [sflag:$0x1], $0x80, $0x38;
	[tilespmem:$0xC100] =	vst v63  }
0x1e7: {  	s24 =	sadd.s32 $0x9D0, s12;
	s23 =	sadd.s32 $0xD00, s13  }
0x1e8: {  	[hbm4b:s24+s2] =	stream.linear.scatter [tilespmem:s23], [sflag:$0x1], $0x80, $0x38;
	[tilespmem:$0xC100] =	vst v63  }
0x1e9: {  	s26 =	sadd.s32 $0xA50, s12;
	s25 =	sadd.s32 $0x1100, s13  }
0x1ea: {  	[hbm4b:s26+s2] =	stream.linear.scatter [tilespmem:s25], [sflag:$0x1], $0x80, $0x38;
	[tilespmem:$0xC100] =	vst v63  }
0x1eb: {  	s29 =	sadd.s32 $0xAD0, s12;
	s28 =	sadd.s32 $0x1500, s13  }
0x1ec: {  	[hbm4b:s29+s2] =	stream.linear.scatter [tilespmem:s28], [sflag:$0x1], $0x80, $0x38;
	[tilespmem:$0xC100] =	vst v63  }
0x1ed: {  	s31 =	sadd.s32 $0xB50, s12;
	s30 =	sadd.s32 $0x1900, s13  }
0x1ee: {  	[hbm4b:s31+s2] =	stream.linear.scatter [tilespmem:s30], [sflag:$0x1], $0x80, $0x38;
	[tilespmem:$0xC100] =	vst v63  }
0x1ef: {  	s16 =	sadd.s32 $0xBD0, s12;
	s15 =	sadd.s32 $0x1D00, s13  }
0x1f0: {  	(v2sf) =	vpush v0, $0xE;
	[hbm4b:s16+s2] =	stream.linear.scatter [tilespmem:s15], [sflag:$0x1], $0x80, $0x38;
	[tilespmem:$0xC100] =	vst v63  }
0x1f1: {  	s17 =	sadd.s32 $0x2100, s13;
	s18 =	sadd.s32 $0xC50, s12  }
0x1f2: {  	[hbm4b:s18+s2] =	stream.linear.scatter [tilespmem:s17], [sflag:$0x1], $0x80, $0x38;
	[tilespmem:$0xC100] =	vst v63  }
0x1f3: {  	s19 =	sadd.s32 $0x2500, s13;
	s20 =	sadd.s32 $0xCD0, s12  }
0x1f4: {  	[hbm4b:s20+s2] =	stream.linear.scatter [tilespmem:s19], [sflag:$0x1], $0x80, $0x38;
	[tilespmem:$0xC100] =	vst v63  }
0x1f5: {  	s21 =	sadd.s32 $0x2900, s13;
	s22 =	sadd.s32 $0xD50, s12  }
0x1f6: {  	[hbm4b:s22+s2] =	stream.linear.scatter [tilespmem:s21], [sflag:$0x1], $0x80, $0x38;
	[tilespmem:$0xC100] =	vst v63  }
0x1f7: {  	s23 =	sadd.s32 $0x2D00, s13;
	s24 =	sadd.s32 $0xDD0, s12  }
0x1f8: {  	[hbm4b:s24+s2] =	stream.linear.scatter [tilespmem:s23], [sflag:$0x1], $0x80, $0x38;
	[tilespmem:$0xC100] =	vst v63  }
0x1f9: {  	s25 =	sadd.s32 $0x3100, s13;
	s26 =	sadd.s32 $0xE50, s12  }
0x1fa: {  	[hbm4b:s26+s2] =	stream.linear.scatter [tilespmem:s25], [sflag:$0x1], $0x80, $0x38;
	[tilespmem:$0xC100] =	vst v63  }
0x1fb: {  	s28 =	sadd.s32 $0x3500, s13;
	s29 =	sadd.s32 $0xED0, s12  }
0x1fc: {  	[hbm4b:s29+s2] =	stream.linear.scatter [tilespmem:s28], [sflag:$0x1], $0x80, $0x38;
	[tilespmem:$0xC100] =	vst v63  }
0x1fd: {  	s30 =	sadd.s32 $0x3900, s13;
	s31 =	sadd.s32 $0xF50, s12  }
0x1fe: {  	[hbm4b:s31+s2] =	stream.linear.scatter [tilespmem:s30], [sflag:$0x1], $0x80, $0x38;
	[tilespmem:$0xC100] =	vst v63  }
0x1ff: {  	s13 =	sadd.s32 $0x3D00, s13;
	s15 =	sadd.s32 $0xFD0, s12;
	s16 =	spop (v2sf)  }
0x200: {  	[hbm4b:s15+s2] =	stream.linear.scatter [tilespmem:s13], [sflag:$0x1], $0x80, $0x38;
	[tilespmem:$0xC100] =	vst v63  }
0x201: {  	s17 =	sshll.u32 s16, $0xB;
	s13 =	sshll.u32 s16, $0x7  }
0x202: {  	s14 =	sand.u32 $0xFFFFC000, s17;
	s13 =	sand.u32 $0x380, s13  }
0x203: {  	s13 =	sor.u32 s13, s14  }
0x204: {  	s18 =	sadd.s32 $0x860, s12;
	s14 =	sadd.s32 $0x100, s13  }
0x205: {  	[hbm4b:s18+s2] =	stream.linear.scatter [tilespmem:s14], [sflag:$0x1], $0x80, $0x38;
	[tilespmem:$0xC100] =	vst v63  }
0x206: {  	s20 =	sadd.s32 $0x8E0, s12;
	s19 =	sadd.s32 $0x500, s13  }
0x207: {  	[hbm4b:s20+s2] =	stream.linear.scatter [tilespmem:s19], [sflag:$0x1], $0x80, $0x38;
	[tilespmem:$0xC100] =	vst v63  }
0x208: {  	s22 =	sadd.s32 $0x960, s12;
	s21 =	sadd.s32 $0x900, s13  }
0x209: {  	[hbm4b:s22+s2] =	stream.linear.scatter [tilespmem:s21], [sflag:$0x1], $0x80, $0x38;
	[tilespmem:$0xC100] =	vst v63  }
0x20a: {  	s24 =	sadd.s32 $0x9E0, s12;
	s23 =	sadd.s32 $0xD00, s13  }
0x20b: {  	[hbm4b:s24+s2] =	stream.linear.scatter [tilespmem:s23], [sflag:$0x1], $0x80, $0x38;
	[tilespmem:$0xC100] =	vst v63  }
0x20c: {  	s26 =	sadd.s32 $0xA60, s12;
	s25 =	sadd.s32 $0x1100, s13  }
0x20d: {  	[hbm4b:s26+s2] =	stream.linear.scatter [tilespmem:s25], [sflag:$0x1], $0x80, $0x38;
	[tilespmem:$0xC100] =	vst v63  }
0x20e: {  	s29 =	sadd.s32 $0xAE0, s12;
	s28 =	sadd.s32 $0x1500, s13  }
0x20f: {  	[hbm4b:s29+s2] =	stream.linear.scatter [tilespmem:s28], [sflag:$0x1], $0x80, $0x38;
	[tilespmem:$0xC100] =	vst v63  }
0x210: {  	s31 =	sadd.s32 $0xB60, s12;
	s30 =	sadd.s32 $0x1900, s13  }
0x211: {  	[hbm4b:s31+s2] =	stream.linear.scatter [tilespmem:s30], [sflag:$0x1], $0x80, $0x38;
	[tilespmem:$0xC100] =	vst v63  }
0x212: {  	s16 =	sadd.s32 $0xBE0, s12;
	s15 =	sadd.s32 $0x1D00, s13  }
0x213: {  	(v2sf) =	vpush v0, $0xF;
	[hbm4b:s16+s2] =	stream.linear.scatter [tilespmem:s15], [sflag:$0x1], $0x80, $0x38;
	[tilespmem:$0xC100] =	vst v63  }
0x214: {  	s17 =	sadd.s32 $0x2100, s13;
	s18 =	sadd.s32 $0xC60, s12  }
0x215: {  	[hbm4b:s18+s2] =	stream.linear.scatter [tilespmem:s17], [sflag:$0x1], $0x80, $0x38;
	[tilespmem:$0xC100] =	vst v63  }
0x216: {  	s19 =	sadd.s32 $0x2500, s13;
	s20 =	sadd.s32 $0xCE0, s12  }
0x217: {  	[hbm4b:s20+s2] =	stream.linear.scatter [tilespmem:s19], [sflag:$0x1], $0x80, $0x38;
	[tilespmem:$0xC100] =	vst v63  }
0x218: {  	s21 =	sadd.s32 $0x2900, s13;
	s22 =	sadd.s32 $0xD60, s12  }
0x219: {  	[hbm4b:s22+s2] =	stream.linear.scatter [tilespmem:s21], [sflag:$0x1], $0x80, $0x38;
	[tilespmem:$0xC100] =	vst v63  }
0x21a: {  	s23 =	sadd.s32 $0x2D00, s13;
	s24 =	sadd.s32 $0xDE0, s12  }
0x21b: {  	[hbm4b:s24+s2] =	stream.linear.scatter [tilespmem:s23], [sflag:$0x1], $0x80, $0x38;
	[tilespmem:$0xC100] =	vst v63  }
0x21c: {  	s25 =	sadd.s32 $0x3100, s13;
	s26 =	sadd.s32 $0xE60, s12  }
0x21d: {  	[hbm4b:s26+s2] =	stream.linear.scatter [tilespmem:s25], [sflag:$0x1], $0x80, $0x38;
	[tilespmem:$0xC100] =	vst v63  }
0x21e: {  	s28 =	sadd.s32 $0x3500, s13;
	s29 =	sadd.s32 $0xEE0, s12  }
0x21f: {  	[hbm4b:s29+s2] =	stream.linear.scatter [tilespmem:s28], [sflag:$0x1], $0x80, $0x38;
	[tilespmem:$0xC100] =	vst v63  }
0x220: {  	s30 =	sadd.s32 $0x3900, s13;
	s31 =	sadd.s32 $0xF60, s12  }
0x221: {  	[hbm4b:s31+s2] =	stream.linear.scatter [tilespmem:s30], [sflag:$0x1], $0x80, $0x38;
	[tilespmem:$0xC100] =	vst v63  }
0x222: {  	s13 =	sadd.s32 $0x3D00, s13;
	s15 =	sadd.s32 $0xFE0, s12;
	s16 =	spop (v2sf)  }
0x223: {  	[hbm4b:s15+s2] =	stream.linear.scatter [tilespmem:s13], [sflag:$0x1], $0x80, $0x38;
	[tilespmem:$0xC100] =	vst v63  }
0x224: {  	s17 =	sshll.u32 s16, $0xB;
	s13 =	sshll.u32 s16, $0x7  }
0x225: {  	s14 =	sand.u32 $0xFFFFC000, s17;
	s13 =	sand.u32 $0x380, s13  }
0x226: {  	s13 =	sor.u32 s13, s14  }
0x227: {  	s18 =	sadd.s32 $0x870, s12;
	s14 =	sadd.s32 $0x100, s13  }
0x228: {  	[hbm4b:s18+s2] =	stream.linear.scatter [tilespmem:s14], [sflag:$0x1], $0x80, $0x38;
	[tilespmem:$0xC100] =	vst v63  }
0x229: {  	s20 =	sadd.s32 $0x8F0, s12;
	s19 =	sadd.s32 $0x500, s13  }
0x22a: {  	[hbm4b:s20+s2] =	stream.linear.scatter [tilespmem:s19], [sflag:$0x1], $0x80, $0x38;
	[tilespmem:$0xC100] =	vst v63  }
0x22b: {  	s22 =	sadd.s32 $0x970, s12;
	s21 =	sadd.s32 $0x900, s13  }
0x22c: {  	[hbm4b:s22+s2] =	stream.linear.scatter [tilespmem:s21], [sflag:$0x1], $0x80, $0x38;
	[tilespmem:$0xC100] =	vst v63  }
0x22d: {  	s24 =	sadd.s32 $0x9F0, s12;
	s23 =	sadd.s32 $0xD00, s13  }
0x22e: {  	[hbm4b:s24+s2] =	stream.linear.scatter [tilespmem:s23], [sflag:$0x1], $0x80, $0x38;
	[tilespmem:$0xC100] =	vst v63  }
0x22f: {  	s26 =	sadd.s32 $0xA70, s12;
	s25 =	sadd.s32 $0x1100, s13  }
0x230: {  	[hbm4b:s26+s2] =	stream.linear.scatter [tilespmem:s25], [sflag:$0x1], $0x80, $0x38;
	[tilespmem:$0xC100] =	vst v63  }
0x231: {  	s29 =	sadd.s32 $0xAF0, s12;
	s28 =	sadd.s32 $0x1500, s13  }
0x232: {  	[hbm4b:s29+s2] =	stream.linear.scatter [tilespmem:s28], [sflag:$0x1], $0x80, $0x38;
	[tilespmem:$0xC100] =	vst v63  }
0x233: {  	s31 =	sadd.s32 $0xB70, s12;
	s30 =	sadd.s32 $0x1900, s13  }
0x234: {  	[hbm4b:s31+s2] =	stream.linear.scatter [tilespmem:s30], [sflag:$0x1], $0x80, $0x38;
	[tilespmem:$0xC100] =	vst v63  }
0x235: {  	s16 =	sadd.s32 $0xBF0, s12;
	s15 =	sadd.s32 $0x1D00, s13  }
0x236: {  	[hbm4b:s16+s2] =	stream.linear.scatter [tilespmem:s15], [sflag:$0x1], $0x80, $0x38;
	[tilespmem:$0xC100] =	vst v63  }
0x237: {  	s17 =	sadd.s32 $0x2100, s13;
	s18 =	sadd.s32 $0xC70, s12  }
0x238: {  	[hbm4b:s18+s2] =	stream.linear.scatter [tilespmem:s17], [sflag:$0x1], $0x80, $0x38;
	[tilespmem:$0xC100] =	vst v63  }
0x239: {  	s19 =	sadd.s32 $0x2500, s13;
	s20 =	sadd.s32 $0xCF0, s12  }
0x23a: {  	[hbm4b:s20+s2] =	stream.linear.scatter [tilespmem:s19], [sflag:$0x1], $0x80, $0x38;
	[tilespmem:$0xC100] =	vst v63  }
0x23b: {  	s21 =	sadd.s32 $0x2900, s13;
	s22 =	sadd.s32 $0xD70, s12  }
0x23c: {  	[hbm4b:s22+s2] =	stream.linear.scatter [tilespmem:s21], [sflag:$0x1], $0x80, $0x38;
	[tilespmem:$0xC100] =	vst v63  }
0x23d: {  	s23 =	sadd.s32 $0x2D00, s13;
	s24 =	sadd.s32 $0xDF0, s12  }
0x23e: {  	[hbm4b:s24+s2] =	stream.linear.scatter [tilespmem:s23], [sflag:$0x1], $0x80, $0x38;
	[tilespmem:$0xC100] =	vst v63  }
0x23f: {  	s25 =	sadd.s32 $0x3100, s13;
	s26 =	sadd.s32 $0xE70, s12  }
0x240: {  	[hbm4b:s26+s2] =	stream.linear.scatter [tilespmem:s25], [sflag:$0x1], $0x80, $0x38;
	[tilespmem:$0xC100] =	vst v63  }
0x241: {  	s28 =	sadd.s32 $0x3500, s13;
	s29 =	sadd.s32 $0xEF0, s12  }
0x242: {  	[hbm4b:s29+s2] =	stream.linear.scatter [tilespmem:s28], [sflag:$0x1], $0x80, $0x38;
	[tilespmem:$0xC100] =	vst v63  }
0x243: {  	s30 =	sadd.s32 $0x3900, s13;
	s31 =	sadd.s32 $0xF70, s12  }
0x244: {  	[hbm4b:s31+s2] =	stream.linear.scatter [tilespmem:s30], [sflag:$0x1], $0x80, $0x38;
	[tilespmem:$0xC100] =	vst v63  }
0x245: {  	s13 =	sadd.s32 $0x3D00, s13;
	s12 =	sadd.s32 $0xFF0, s12  }
0x246: {  	[hbm4b:s12+s2] =	stream.linear.scatter [tilespmem:s13], [sflag:$0x1], $0x80, $0x38;
	[tilespmem:$0xC100] =	vst v63  }
0x247: {  	_ =	swait.ge [sflag:s8], $0x800  }
0x248: {  	[sflag:s8] =	ssyncset.done $0x0  }
0x249: {  	[sflag:s8] =	ssyncadd.s32 $0xFFFFF800  }
0x24a: {  	_ =	swait.ge [sflag:s8], $0x800  }
0x24b: {  	[sflag:s8] =	ssyncset.done $0x0  }
0x24c: {  	[sflag:s8] =	ssyncadd.s32 $0xFFFFF800  }
0x24d: {  	_ =	swait.ge [sflag:s8], $0x800  }
0x24e: {  	[sflag:s8] =	ssyncset.done $0x0  }
0x24f: {  	[sflag:s8] =	ssyncadd.s32 $0xFFFFF800  }
0x250: {  	_ =	swait.ge [sflag:s8], $0x800  }
0x251: {  	[sflag:s8] =	ssyncset.done $0x0  }
0x252: {  	[sflag:s8] =	ssyncadd.s32 $0xFFFFF800  }
0x253: {  	_ =	swait.ge [sflag:s8], $0x800  }
0x254: {  	[sflag:s8] =	ssyncset.done $0x0  }
0x255: {  	[sflag:s8] =	ssyncadd.s32 $0xFFFFF800  }
0x256: {  	_ =	swait.ge [sflag:s8], $0x800  }
0x257: {  	[sflag:s8] =	ssyncset.done $0x0  }
0x258: {  	[sflag:s8] =	ssyncadd.s32 $0xFFFFF800  }
0x259: {  	_ =	swait.ge [sflag:s8], $0x800  }
0x25a: {  	[sflag:s8] =	ssyncset.done $0x0  }
0x25b: {  	[sflag:s8] =	ssyncadd.s32 $0xFFFFF800  }
0x25c: {  	_ =	swait.ge [sflag:s8], $0x800  }
0x25d: {  	[sflag:s8] =	ssyncset.done $0x0  }
0x25e: {  	[sflag:s8] =	ssyncadd.s32 $0xFFFFF800  }
0x25f: {  	_ =	swait.ge [sflag:s8], $0x800  }
0x260: {  	[sflag:s8] =	ssyncset.done $0x0  }
0x261: {  	[sflag:s8] =	ssyncadd.s32 $0xFFFFF800  }
0x262: {  	_ =	swait.ge [sflag:s8], $0x800  }
0x263: {  	[sflag:s8] =	ssyncset.done $0x0  }
0x264: {  	[sflag:s8] =	ssyncadd.s32 $0xFFFFF800  }
0x265: {  	_ =	swait.ge [sflag:s8], $0x800  }
0x266: {  	[sflag:s8] =	ssyncset.done $0x0  }
0x267: {  	[sflag:s8] =	ssyncadd.s32 $0xFFFFF800  }
0x268: {  	_ =	swait.ge [sflag:s8], $0x800  }
0x269: {  	[sflag:s8] =	ssyncset.done $0x0  }
0x26a: {  	[sflag:s8] =	ssyncadd.s32 $0xFFFFF800  }
0x26b: {  	_ =	swait.ge [sflag:s8], $0x800  }
0x26c: {  	[sflag:s8] =	ssyncset.done $0x0  }
0x26d: {  	[sflag:s8] =	ssyncadd.s32 $0xFFFFF800  }
0x26e: {  	_ =	swait.ge [sflag:s8], $0x800  }
0x26f: {  	[sflag:s8] =	ssyncset.done $0x0  }
0x270: {  	[sflag:s8] =	ssyncadd.s32 $0xFFFFF800  }
0x271: {  	p0 =	sne.s32 s11, $0xF000;
	_ =	swait.ge [sflag:s8], $0x800  }
.Ltmp0:
0x272: {  	[sflag:s8] =	ssyncset.done $0x0;
	(pc) =	sbr.rel @p0 .LBB2_2-.Ltmp0, $4  }
0x273: {  	[sflag:s8] =	ssyncadd.s32 $0xFFFFF800  }
0x274: {  	_ =	swait.ge [sflag:s8], $0x800  }
0x275: {  	[sflag:s8] =	ssyncset.done $0x0  }
0x276: {  	s10 =	sadd.s32 $0x10, s10;
	s11 =	sadd.s32 $0x1000, s11;
	[sflag:s8] =	ssyncadd.s32 $0xFFFFF800  }
0x277: {  	s9 =	sadd.s32 $0x1, s9  }
0x278: {  	p0 =	sne.s32 s9, s5  }
.Ltmp1:
0x279: {  	_ = 	snop;
	(pc) =	sbr.rel @p0 .LBB2_1-.Ltmp1, $1  }
0x27a: {  	_ =	sdelay $0x3  }
0x27b: {  	_ =	sfence.sel $0x180000  }
0x27c: {  	[bflag:$0x0] =	sbarrier.arrive $0xFFFF  }
0x27d: {  	p0 =	sne.s32 s0, $0x0;
	_ =	strace $0x90000047  }
0x27e: {  	s0 =	sadd.s32 @!p0 $0x100000, s1;
	[bflag:$0x2] =	sbarrier.arrive $0xFFFF  }
0x27f: {  	[sflag:s0] =	ssyncadd.tile.s32 @!p0 $0x1;
	_ =	shalt  }
.Lfunc_end2:
_tile_overlayer_lowered:
.L_overlay_start_2:
0x280: {  	(tag) =	ssettag $0x2  }
0x281: {  	s0 =	rddreg [dreg:$0x0];
	s2 =	stileid.u32  }
0x282: {  	s1 =	rddreg [dreg:$0x1];
	p0 =	sne.s32 s2, $0x0  }
0x283: {  	s3 =	rddreg [dreg:$0x2];
	[bflag:$0x3] =	sbarrier.arrive $0xFFFF;
	s2 =	simm.s32 @!p0 $0x1C03  }
0x284: {  	[timem:s3], [sflag:s2] =	dma.local @!p0 [hbm:s0], s1  }
0x285: {  	s0 =	simm.s32 @!p0 $0x3  }
0x286: {  	_ =	swait.ge @!p0 [sflag:s0], s1  }
0x287: {  	s1 =	ssub.s32 @!p0 $0x0, s1;
	[sflag:s0] =	ssyncset.done @!p0 $0x0  }
0x288: {  	[sflag:s0] =	ssyncadd.s32 @!p0 s1  }
0x289: {  	[bflag:$0x3] =	sbarrier.arrive $0xFFFF  }
0x28a: {  	_ =	shalt  }

</sc_bundles>
